<compile_context>
chip_gen: v7x
topology: tpu7x:2x2x1
jax: 0.10.2.dev20260603
libtpu: 0.0.44.dev20260713+nightly
codegen_flags: <defaults>
</compile_context>

<pallas_src>
import functools

import jax
import jax.numpy as jnp
from jax import lax
from jax.experimental import pallas as pl
from jax.experimental.pallas import tpu as pltpu
from jax.experimental.pallas import tpu_sc as plsc


def _make_gather(R_out, R_src, Hdim, Ndim):
    info = plsc.get_sparse_core_info()
    NC, NS, L = info.num_cores, info.num_subcores, info.num_lanes
    NW = NC * NS
    assert Ndim == L, "design assumes batch dim == lane count"
    rows_per_w = R_out // NW
    assert rows_per_w * NW == R_out
    K = 16
    NBUF = 8
    assert K == L
    n_chunks = rows_per_w // K
    assert n_chunks * K == rows_per_w
    n_groups = n_chunks // NBUF
    assert n_groups * NBUF == n_chunks

    mesh = plsc.VectorSubcoreMesh(core_axis_name="c", subcore_axis_name="s")

    @functools.partial(
        pl.kernel,
        out_type=jax.ShapeDtypeStruct((R_out, Hdim), jnp.float32),
        mesh=mesh,
        scratch_types=[
            pltpu.VMEM((rows_per_w,), jnp.int32),
            pltpu.VMEM((NBUF, K, Hdim), jnp.float32),
            pltpu.SemaphoreType.DMA((NBUF,)),
            pltpu.SemaphoreType.DMA((NBUF,)),
        ],
    )
    def body(x_hbm, t_hbm, out_hbm, idx_v, rows_v, gsem, wsem):
        wid = lax.axis_index("c") * NS + lax.axis_index("s")
        base = wid * rows_per_w
        pltpu.sync_copy(t_hbm.at[pl.ds(base, rows_per_w)], idx_v)
        lane = lax.iota(jnp.int32, L)

        def cvt(c):
            off = pl.multiple_of(c * L, L)
            tv = idx_v[pl.ds(off, L)]
            idx_v[pl.ds(off, L)] = (tv - 1) * Ndim + lane

        def gdesc(c, b):
            coff = pl.multiple_of(c * K, K)
            return pltpu.make_async_copy(
                x_hbm.at[idx_v.at[pl.ds(coff, K)]], rows_v.at[b], gsem.at[b]
            )

        def wdesc(c, b):
            coff = pl.multiple_of(c * K, K)
            return pltpu.make_async_copy(
                rows_v.at[b], out_hbm.at[pl.ds(base + coff, K)], wsem.at[b]
            )

        def group(g, carry):
            for b in range(NBUF):
                c = g * NBUF + b

                @pl.when(g > 0)
                def _():
                    wdesc(c - NBUF, b).wait()

                cvt(c)
                gdesc(c, b).start()
            for b in range(NBUF):
                c = g * NBUF + b
                gdesc(c, b).wait()
                wdesc(c, b).start()
            return carry

        lax.fori_loop(0, n_groups, group, 0)
        for b in range(NBUF):
            wdesc(n_chunks - NBUF + b, b).wait()

    return body


def kernel(x, targets, lengths):
    Tdim, Ndim, Hdim = x.shape
    Tout = targets.shape[0]
    xflat = x.reshape(Tdim * Ndim, Hdim)
    tflat = targets.reshape(Tout * Ndim)
    gather = _make_gather(Tout * Ndim, Tdim * Ndim, Hdim, Ndim)
    out = gather(xflat, tflat)
    return (out.reshape(Tout, Ndim, Hdim), lengths)

# --- scband reference (transcript-rebuilt; emitter-appended) ---
"""Pipeline reference for scband-repeat-context-33182917329481 (READ-ONLY COPY).

The authoritative reference and input builder live on the scoring server;
editing this copy changes nothing except your own understanding.
"""

import jax, jax.numpy as jnp
import numpy as np

T, N, H = 2048, 16, 512
TOUT = 4096

def setup_inputs(seed: int = 0) -> dict:
    key = jax.random.key(seed)
    k1, k2, k3 = jax.random.split(key, 3)
    x = jax.random.normal(k1, (T, N, H), dtype=jnp.float32)
    # targets are RLE-expanded source-position indices, already offset by +1
    # (index 0 points at the NaN pad row). We sample in [1, T] to stay on real rows,
    # mimicking rle_to_idxs output for fully-covered sequences.
    targets = jax.random.randint(k2, (TOUT, N), 1, T + 1, dtype=jnp.int32)
    lengths = jax.random.randint(k3, (N,), 1, TOUT + 1, dtype=jnp.int32)
    return {"x": x, "targets": targets, "lengths": lengths}

def reference(x, targets, lengths):
    # forward: px = cat([nan_pad, x], 0); out = px.gather(0, targets expanded over H)
    Tx, Nx, Hx = x.shape
    pad = jnp.full((1, Nx, Hx), jnp.nan, dtype=x.dtype)
    px = jnp.concatenate([pad, x], axis=0)
    idx = jnp.broadcast_to(targets[:, :, None], (targets.shape[0], Nx, Hx))
    out = jnp.take_along_axis(px, idx, axis=0)
    # lut is None and poslut is None -> return (out, lengths)
    return (out, lengths)

if __name__ == "__main__":
    import jax
    _d = setup_inputs()
    print(jax.jit(kernel)(*tuple(_d.values())))

</pallas_src>

<mosaic_0001>
#map = affine_map<(d0, d1) -> (0, 0)>
#map1 = affine_map<(d0, d1) -> (0)>
module attributes {stable_mosaic.version = 14 : i64} {
  func.func @body(%arg0: i32, %arg1: i32, %arg2: memref<32768x512xf32, #tpu.memory_space<hbm>>, %arg3: memref<65536xi32, #tpu.memory_space<hbm>>, %arg4: memref<65536x512xf32, #tpu.memory_space<hbm>>, %arg5: memref<2048xi32, #tpu.memory_space<vmem>>, %arg6: memref<8x16x512xf32, #tpu.memory_space<vmem>>, %arg7: memref<8x!tpu.dma_semaphore, #tpu.memory_space<semaphore_mem>>, %arg8: memref<8x!tpu.dma_semaphore, #tpu.memory_space<semaphore_mem>>) attributes {dimension_semantics = [#tpu.dimension_semantics<core_parallel>, #tpu.dimension_semantics<subcore_parallel>], iteration_bounds = array<i64: 2, 16>, scalar_prefetch = 0 : i64, scratch_operands = 4 : i64, tpu.core_type = #tpu.core_type<sc_vector_subcore>, window_params = [{transform_indices = #map}, {transform_indices = #map1}, {transform_indices = #map}]} {
    %mul3A = arith.constant 16 : i32
    %mul3A_0 = arith.muli %arg0, %mul3A : i32
    %add3A = arith.addi %mul3A_0, %arg1 : i32
    %mul3A_1 = arith.constant 2048 : i32
    %mul3A_2 = arith.muli %add3A, %mul3A_1 : i32
    "tpu.region"() ({
      %run_scoped3A = tpu.sem_alloc : memref<!tpu.dma_semaphore, #tpu.memory_space<semaphore_mem>>
      %dma_start3A = tpu.memref_slice %arg3[%mul3A_2] : memref<65536xi32, #tpu.memory_space<hbm>> -> memref<2048xi32, #tpu.memory_space<hbm>>
      %dma_start3A_158 = tpu.memref_slice %arg3[%mul3A_2] : memref<65536xi32, #tpu.memory_space<hbm>> -> memref<2048xi32, #tpu.memory_space<hbm>>
      tpu.enqueue_dma source(%dma_start3A_158 : memref<2048xi32, #tpu.memory_space<hbm>>) target(%arg5 : memref<2048xi32, #tpu.memory_space<vmem>>) target_semaphore(%run_scoped3A : memref<!tpu.dma_semaphore, #tpu.memory_space<semaphore_mem>>)
      %dma_wait3A_159 = tpu.memref_slice %arg3[%mul3A_2] : memref<65536xi32, #tpu.memory_space<hbm>> -> memref<2048xi32, #tpu.memory_space<hbm>>
      %dma_wait3A_160 = tpu.memref_slice %arg3[%mul3A_2] : memref<65536xi32, #tpu.memory_space<hbm>> -> memref<2048xi32, #tpu.memory_space<hbm>>
      tpu.wait_dma2 semaphore(%run_scoped3A : memref<!tpu.dma_semaphore, #tpu.memory_space<semaphore_mem>>) src(%dma_wait3A_160 : memref<2048xi32, #tpu.memory_space<hbm>>) dst(%arg5 : memref<2048xi32, #tpu.memory_space<vmem>>)
      tpu.yield
    }) : () -> ()
    %iota3A = tpu.iota {dimensions = array<i32: 0>} : vector<16xi32>
    %scan3A = arith.constant 0 : i32
    %scan3A_3 = arith.constant 0 : i32
    %scan3A_4 = arith.constant 16 : i32
    %scan3A_5 = arith.addi %scan3A_3, %scan3A_4 : i32
    %scan3A_6 = arith.constant 1 : i32
    scf.for %scan3A_158 = %scan3A_3 to %scan3A_5 step %scan3A_6  : i32 {
      %mul3A_159 = arith.constant 8 : i32
      %mul3A_160 = arith.muli %scan3A_158, %mul3A_159 : i32
      %add3A_161 = arith.constant 0 : i32
      %add3A_162 = arith.addi %mul3A_160, %add3A_161 : i32
      %gt3A = arith.constant 0 : i32
      %gt3A_163 = arith.cmpi sgt, %scan3A_158, %gt3A : i32
      %convert_element_type3A = arith.extui %gt3A_163 : i1 to i32
      %cond3A = arith.constant 0 : i32
      %cond3A_164 = arith.cmpi ne, %convert_element_type3A, %cond3A : i32
      scf.if %cond3A_164 {
        %sub3A_792 = arith.constant 8 : i32
        %sub3A_793 = arith.subi %add3A_162, %sub3A_792 : i32
        %mul3A_794 = arith.constant 16 : i32
        %mul3A_795 = arith.muli %sub3A_793, %mul3A_794 : i32
        %multiple_of3A_796 = tpu.assume_multiple %mul3A_795, 16 : i32
        %add3A_797 = arith.addi %mul3A_2, %multiple_of3A_796 : i32
        %dma_wait3A_798 = arith.constant 0 : i32
        %dma_wait3A_799 = arith.constant 0 : i32
        %dma_wait3A_800 = arith.constant 0 : i32
        %dma_wait3A_801 = arith.constant 0 : i32
        %dma_wait3A_802 = tpu.memref_slice %arg6[%dma_wait3A_798, %dma_wait3A_800, %dma_wait3A_801] : memref<8x16x512xf32, #tpu.memory_space<vmem>> -> memref<1x16x512xf32, #tpu.memory_space<vmem>>
        %dma_wait3A_803 = tpu.memref_squeeze %dma_wait3A_802 : memref<1x16x512xf32, #tpu.memory_space<vmem>> -> memref<16x512xf32, #tpu.memory_space<vmem>>
        %dma_wait3A_804 = arith.constant 0 : i32
        %dma_wait3A_805 = tpu.memref_slice %arg4[%add3A_797, %dma_wait3A_804] : memref<65536x512xf32, #tpu.memory_space<hbm>> -> memref<16x512xf32, #tpu.memory_space<hbm>>
        %dma_wait3A_806 = tpu.memref_slice %arg8[%dma_wait3A_799] : memref<8x!tpu.dma_semaphore, #tpu.memory_space<semaphore_mem>> -> memref<1x!tpu.dma_semaphore, #tpu.memory_space<semaphore_mem>>
        %dma_wait3A_807 = tpu.memref_squeeze %dma_wait3A_806 : memref<1x!tpu.dma_semaphore, #tpu.memory_space<semaphore_mem>> -> memref<!tpu.dma_semaphore, #tpu.memory_space<semaphore_mem>>
        %dma_wait3A_808 = arith.constant 0 : i32
        %dma_wait3A_809 = tpu.memref_slice %arg4[%add3A_797, %dma_wait3A_808] : memref<65536x512xf32, #tpu.memory_space<hbm>> -> memref<16x512xf32, #tpu.memory_space<hbm>>
        %dma_wait3A_810 = arith.constant 0 : i32
        %dma_wait3A_811 = arith.constant 0 : i32
        %dma_wait3A_812 = tpu.memref_slice %arg6[%dma_wait3A_798, %dma_wait3A_810, %dma_wait3A_811] : memref<8x16x512xf32, #tpu.memory_space<vmem>> -> memref<1x16x512xf32, #tpu.memory_space<vmem>>
        %dma_wait3A_813 = tpu.memref_squeeze %dma_wait3A_812 : memref<1x16x512xf32, #tpu.memory_space<vmem>> -> memref<16x512xf32, #tpu.memory_space<vmem>>
        tpu.wait_dma2 semaphore(%dma_wait3A_807 : memref<!tpu.dma_semaphore, #tpu.memory_space<semaphore_mem>>) src(%dma_wait3A_813 : memref<16x512xf32, #tpu.memory_space<vmem>>) dst(%dma_wait3A_809 : memref<16x512xf32, #tpu.memory_space<hbm>>)
      } else {
      }
      %mul3A_165 = arith.constant 16 : i32
      %mul3A_166 = arith.muli %add3A_162, %mul3A_165 : i32
      %multiple_of3A_167 = tpu.assume_multiple %mul3A_166, 16 : i32
      %get3A = arith.index_cast %multiple_of3A_167 : i32 to index
      %get3A_168 = tpu.vector_load %arg5[%get3A] {strides = array<i32>} : memref<2048xi32, #tpu.memory_space<vmem>>, vector<16xi32>,
      %get3A_169 = vector.shape_cast %get3A_168 : vector<16xi32> to vector<16xi32>
      %sub3A = arith.constant 1 : i32
      %sub3A_170 = vector.broadcast %sub3A : i32 to vector<16xi32>
      %sub3A_171 = arith.subi %get3A_169, %sub3A_170 : vector<16xi32>
      %mul3A_172 = arith.constant 16 : i32
      %mul3A_173 = vector.broadcast %mul3A_172 : i32 to vector<16xi32>
      %mul3A_174 = arith.muli %sub3A_171, %mul3A_173 : vector<16xi32>
      %add3A_175 = arith.addi %mul3A_174, %iota3A : vector<16xi32>
      %swap3A = arith.index_cast %multiple_of3A_167 : i32 to index
      %swap3A_176 = tpu.vector_load %arg5[%swap3A] {strides = array<i32>} : memref<2048xi32, #tpu.memory_space<vmem>>, vector<16xi32>,
      %swap3A_177 = vector.shape_cast %swap3A_176 : vector<16xi32> to vector<16xi32>
      %swap3A_178 = vector.shape_cast %add3A_175 : vector<16xi32> to vector<16xi32>
      tpu.vector_store %arg5[%swap3A], %swap3A_178 {strides = array<i32>} : memref<2048xi32, #tpu.memory_space<vmem>>, vector<16xi32>,
      %mul3A_179 = arith.constant 16 : i32
      %mul3A_180 = arith.muli %add3A_162, %mul3A_179 : i32
      %multiple_of3A_181 = tpu.assume_multiple %mul3A_180, 16 : i32
      %dma_start3A = arith.constant 0 : i32
      %dma_start3A_182 = arith.constant 0 : i32
      %dma_start3A_183 = arith.constant 0 : i32
      %dma_start3A_184 = arith.constant 0 : i32
      %dma_start3A_185 = tpu.memref_slice %arg6[%dma_start3A, %dma_start3A_183, %dma_start3A_184] : memref<8x16x512xf32, #tpu.memory_space<vmem>> -> memref<1x16x512xf32, #tpu.memory_space<vmem>>
      %dma_start3A_186 = tpu.memref_squeeze %dma_start3A_185 : memref<1x16x512xf32, #tpu.memory_space<vmem>> -> memref<16x512xf32, #tpu.memory_space<vmem>>
      %dma_start3A_187 = tpu.memref_slice %arg5[%multiple_of3A_181] : memref<2048xi32, #tpu.memory_space<vmem>> -> memref<16xi32, #tpu.memory_space<vmem>>
      %dma_start3A_188 = arith.constant 0 : i32
      %dma_start3A_189 = arith.constant 0 : i32
      %dma_start3A_190 = tpu.memref_slice %arg2[%dma_start3A_188, %dma_start3A_189] : memref<32768x512xf32, #tpu.memory_space<hbm>> -> memref<32768x512xf32, #tpu.memory_space<hbm>>
      %dma_start3A_191 = tpu.memref_slice %arg7[%dma_start3A_182] : memref<8x!tpu.dma_semaphore, #tpu.memory_space<semaphore_mem>> -> memref<1x!tpu.dma_semaphore, #tpu.memory_space<semaphore_mem>>
      %dma_start3A_192 = tpu.memref_squeeze %dma_start3A_191 : memref<1x!tpu.dma_semaphore, #tpu.memory_space<semaphore_mem>> -> memref<!tpu.dma_semaphore, #tpu.memory_space<semaphore_mem>>
      tpu.enqueue_indirect_dma source(%dma_start3A_190 : memref<32768x512xf32, #tpu.memory_space<hbm>>) target(%dma_start3A_186 : memref<16x512xf32, #tpu.memory_space<vmem>>) offsets(%dma_start3A_187 : memref<16xi32, #tpu.memory_space<vmem>>) semaphore(%dma_start3A_192 : memref<!tpu.dma_semaphore, #tpu.memory_space<semaphore_mem>>)
      %mul3A_193 = arith.constant 8 : i32
      %mul3A_194 = arith.muli %scan3A_158, %mul3A_193 : i32
      %add3A_195 = arith.constant 1 : i32
      %add3A_196 = arith.addi %mul3A_194, %add3A_195 : i32
      %gt3A_197 = arith.constant 0 : i32
      %gt3A_198 = arith.cmpi sgt, %scan3A_158, %gt3A_197 : i32
      %convert_element_type3A_199 = arith.extui %gt3A_198 : i1 to i32
      %cond3A_200 = arith.constant 0 : i32
      %cond3A_201 = arith.cmpi ne, %convert_element_type3A_199, %cond3A_200 : i32
      scf.if %cond3A_201 {
        %sub3A_792 = arith.constant 8 : i32
        %sub3A_793 = arith.subi %add3A_196, %sub3A_792 : i32
        %mul3A_794 = arith.constant 16 : i32
        %mul3A_795 = arith.muli %sub3A_793, %mul3A_794 : i32
        %multiple_of3A_796 = tpu.assume_multiple %mul3A_795, 16 : i32
        %add3A_797 = arith.addi %mul3A_2, %multiple_of3A_796 : i32
        %dma_wait3A_798 = arith.constant 1 : i32
        %dma_wait3A_799 = arith.constant 1 : i32
        %dma_wait3A_800 = arith.constant 0 : i32
        %dma_wait3A_801 = arith.constant 0 : i32
        %dma_wait3A_802 = tpu.memref_slice %arg6[%dma_wait3A_798, %dma_wait3A_800, %dma_wait3A_801] : memref<8x16x512xf32, #tpu.memory_space<vmem>> -> memref<1x16x512xf32, #tpu.memory_space<vmem>>
        %dma_wait3A_803 = tpu.memref_squeeze %dma_wait3A_802 : memref<1x16x512xf32, #tpu.memory_space<vmem>> -> memref<16x512xf32, #tpu.memory_space<vmem>>
        %dma_wait3A_804 = arith.constant 0 : i32
        %dma_wait3A_805 = tpu.memref_slice %arg4[%add3A_797, %dma_wait3A_804] : memref<65536x512xf32, #tpu.memory_space<hbm>> -> memref<16x512xf32, #tpu.memory_space<hbm>>
        %dma_wait3A_806 = tpu.memref_slice %arg8[%dma_wait3A_799] : memref<8x!tpu.dma_semaphore, #tpu.memory_space<semaphore_mem>> -> memref<1x!tpu.dma_semaphore, #tpu.memory_space<semaphore_mem>>
        %dma_wait3A_807 = tpu.memref_squeeze %dma_wait3A_806 : memref<1x!tpu.dma_semaphore, #tpu.memory_space<semaphore_mem>> -> memref<!tpu.dma_semaphore, #tpu.memory_space<semaphore_mem>>
        %dma_wait3A_808 = arith.constant 0 : i32
        %dma_wait3A_809 = tpu.memref_slice %arg4[%add3A_797, %dma_wait3A_808] : memref<65536x512xf32, #tpu.memory_space<hbm>> -> memref<16x512xf32, #tpu.memory_space<hbm>>
        %dma_wait3A_810 = arith.constant 0 : i32
        %dma_wait3A_811 = arith.constant 0 : i32
        %dma_wait3A_812 = tpu.memref_slice %arg6[%dma_wait3A_798, %dma_wait3A_810, %dma_wait3A_811] : memref<8x16x512xf32, #tpu.memory_space<vmem>> -> memref<1x16x512xf32, #tpu.memory_space<vmem>>
        %dma_wait3A_813 = tpu.memref_squeeze %dma_wait3A_812 : memref<1x16x512xf32, #tpu.memory_space<vmem>> -> memref<16x512xf32, #tpu.memory_space<vmem>>
        tpu.wait_dma2 semaphore(%dma_wait3A_807 : memref<!tpu.dma_semaphore, #tpu.memory_space<semaphore_mem>>) src(%dma_wait3A_813 : memref<16x512xf32, #tpu.memory_space<vmem>>) dst(%dma_wait3A_809 : memref<16x512xf32, #tpu.memory_space<hbm>>)
      } else {
      }
      %mul3A_202 = arith.constant 16 : i32
      %mul3A_203 = arith.muli %add3A_196, %mul3A_202 : i32
      %multiple_of3A_204 = tpu.assume_multiple %mul3A_203, 16 : i32
      %get3A_205 = arith.index_cast %multiple_of3A_204 : i32 to index
      %get3A_206 = tpu.vector_load %arg5[%get3A_205] {strides = array<i32>} : memref<2048xi32, #tpu.memory_space<vmem>>, vector<16xi32>,
      %get3A_207 = vector.shape_cast %get3A_206 : vector<16xi32> to vector<16xi32>
      %sub3A_208 = arith.constant 1 : i32
      %sub3A_209 = vector.broadcast %sub3A_208 : i32 to vector<16xi32>
      %sub3A_210 = arith.subi %get3A_207, %sub3A_209 : vector<16xi32>
      %mul3A_211 = arith.constant 16 : i32
      %mul3A_212 = vector.broadcast %mul3A_211 : i32 to vector<16xi32>
      %mul3A_213 = arith.muli %sub3A_210, %mul3A_212 : vector<16xi32>
      %add3A_214 = arith.addi %mul3A_213, %iota3A : vector<16xi32>
      %swap3A_215 = arith.index_cast %multiple_of3A_204 : i32 to index
      %swap3A_216 = tpu.vector_load %arg5[%swap3A_215] {strides = array<i32>} : memref<2048xi32, #tpu.memory_space<vmem>>, vector<16xi32>,
      %swap3A_217 = vector.shape_cast %swap3A_216 : vector<16xi32> to vector<16xi32>
      %swap3A_218 = vector.shape_cast %add3A_214 : vector<16xi32> to vector<16xi32>
      tpu.vector_store %arg5[%swap3A_215], %swap3A_218 {strides = array<i32>} : memref<2048xi32, #tpu.memory_space<vmem>>, vector<16xi32>,
      %mul3A_219 = arith.constant 16 : i32
      %mul3A_220 = arith.muli %add3A_196, %mul3A_219 : i32
      %multiple_of3A_221 = tpu.assume_multiple %mul3A_220, 16 : i32
      %dma_start3A_222 = arith.constant 1 : i32
      %dma_start3A_223 = arith.constant 1 : i32
      %dma_start3A_224 = arith.constant 0 : i32
      %dma_start3A_225 = arith.constant 0 : i32
      %dma_start3A_226 = tpu.memref_slice %arg6[%dma_start3A_222, %dma_start3A_224, %dma_start3A_225] : memref<8x16x512xf32, #tpu.memory_space<vmem>> -> memref<1x16x512xf32, #tpu.memory_space<vmem>>
      %dma_start3A_227 = tpu.memref_squeeze %dma_start3A_226 : memref<1x16x512xf32, #tpu.memory_space<vmem>> -> memref<16x512xf32, #tpu.memory_space<vmem>>
      %dma_start3A_228 = tpu.memref_slice %arg5[%multiple_of3A_221] : memref<2048xi32, #tpu.memory_space<vmem>> -> memref<16xi32, #tpu.memory_space<vmem>>
      %dma_start3A_229 = arith.constant 0 : i32
      %dma_start3A_230 = arith.constant 0 : i32
      %dma_start3A_231 = tpu.memref_slice %arg2[%dma_start3A_229, %dma_start3A_230] : memref<32768x512xf32, #tpu.memory_space<hbm>> -> memref<32768x512xf32, #tpu.memory_space<hbm>>
      %dma_start3A_232 = tpu.memref_slice %arg7[%dma_start3A_223] : memref<8x!tpu.dma_semaphore, #tpu.memory_space<semaphore_mem>> -> memref<1x!tpu.dma_semaphore, #tpu.memory_space<semaphore_mem>>
      %dma_start3A_233 = tpu.memref_squeeze %dma_start3A_232 : memref<1x!tpu.dma_semaphore, #tpu.memory_space<semaphore_mem>> -> memref<!tpu.dma_semaphore, #tpu.memory_space<semaphore_mem>>
      tpu.enqueue_indirect_dma source(%dma_start3A_231 : memref<32768x512xf32, #tpu.memory_space<hbm>>) target(%dma_start3A_227 : memref<16x512xf32, #tpu.memory_space<vmem>>) offsets(%dma_start3A_228 : memref<16xi32, #tpu.memory_space<vmem>>) semaphore(%dma_start3A_233 : memref<!tpu.dma_semaphore, #tpu.memory_space<semaphore_mem>>)
      %mul3A_234 = arith.constant 8 : i32
      %mul3A_235 = arith.muli %scan3A_158, %mul3A_234 : i32
      %add3A_236 = arith.constant 2 : i32
      %add3A_237 = arith.addi %mul3A_235, %add3A_236 : i32
      %gt3A_238 = arith.constant 0 : i32
      %gt3A_239 = arith.cmpi sgt, %scan3A_158, %gt3A_238 : i32
      %convert_element_type3A_240 = arith.extui %gt3A_239 : i1 to i32
      %cond3A_241 = arith.constant 0 : i32
      %cond3A_242 = arith.cmpi ne, %convert_element_type3A_240, %cond3A_241 : i32
      scf.if %cond3A_242 {
        %sub3A_792 = arith.constant 8 : i32
        %sub3A_793 = arith.subi %add3A_237, %sub3A_792 : i32
        %mul3A_794 = arith.constant 16 : i32
        %mul3A_795 = arith.muli %sub3A_793, %mul3A_794 : i32
        %multiple_of3A_796 = tpu.assume_multiple %mul3A_795, 16 : i32
        %add3A_797 = arith.addi %mul3A_2, %multiple_of3A_796 : i32
        %dma_wait3A_798 = arith.constant 2 : i32
        %dma_wait3A_799 = arith.constant 2 : i32
        %dma_wait3A_800 = arith.constant 0 : i32
        %dma_wait3A_801 = arith.constant 0 : i32
        %dma_wait3A_802 = tpu.memref_slice %arg6[%dma_wait3A_798, %dma_wait3A_800, %dma_wait3A_801] : memref<8x16x512xf32, #tpu.memory_space<vmem>> -> memref<1x16x512xf32, #tpu.memory_space<vmem>>
        %dma_wait3A_803 = tpu.memref_squeeze %dma_wait3A_802 : memref<1x16x512xf32, #tpu.memory_space<vmem>> -> memref<16x512xf32, #tpu.memory_space<vmem>>
        %dma_wait3A_804 = arith.constant 0 : i32
        %dma_wait3A_805 = tpu.memref_slice %arg4[%add3A_797, %dma_wait3A_804] : memref<65536x512xf32, #tpu.memory_space<hbm>> -> memref<16x512xf32, #tpu.memory_space<hbm>>
        %dma_wait3A_806 = tpu.memref_slice %arg8[%dma_wait3A_799] : memref<8x!tpu.dma_semaphore, #tpu.memory_space<semaphore_mem>> -> memref<1x!tpu.dma_semaphore, #tpu.memory_space<semaphore_mem>>
        %dma_wait3A_807 = tpu.memref_squeeze %dma_wait3A_806 : memref<1x!tpu.dma_semaphore, #tpu.memory_space<semaphore_mem>> -> memref<!tpu.dma_semaphore, #tpu.memory_space<semaphore_mem>>
        %dma_wait3A_808 = arith.constant 0 : i32
        %dma_wait3A_809 = tpu.memref_slice %arg4[%add3A_797, %dma_wait3A_808] : memref<65536x512xf32, #tpu.memory_space<hbm>> -> memref<16x512xf32, #tpu.memory_space<hbm>>
        %dma_wait3A_810 = arith.constant 0 : i32
        %dma_wait3A_811 = arith.constant 0 : i32
        %dma_wait3A_812 = tpu.memref_slice %arg6[%dma_wait3A_798, %dma_wait3A_810, %dma_wait3A_811] : memref<8x16x512xf32, #tpu.memory_space<vmem>> -> memref<1x16x512xf32, #tpu.memory_space<vmem>>
        %dma_wait3A_813 = tpu.memref_squeeze %dma_wait3A_812 : memref<1x16x512xf32, #tpu.memory_space<vmem>> -> memref<16x512xf32, #tpu.memory_space<vmem>>
        tpu.wait_dma2 semaphore(%dma_wait3A_807 : memref<!tpu.dma_semaphore, #tpu.memory_space<semaphore_mem>>) src(%dma_wait3A_813 : memref<16x512xf32, #tpu.memory_space<vmem>>) dst(%dma_wait3A_809 : memref<16x512xf32, #tpu.memory_space<hbm>>)
      } else {
      }
      %mul3A_243 = arith.constant 16 : i32
      %mul3A_244 = arith.muli %add3A_237, %mul3A_243 : i32
      %multiple_of3A_245 = tpu.assume_multiple %mul3A_244, 16 : i32
      %get3A_246 = arith.index_cast %multiple_of3A_245 : i32 to index
      %get3A_247 = tpu.vector_load %arg5[%get3A_246] {strides = array<i32>} : memref<2048xi32, #tpu.memory_space<vmem>>, vector<16xi32>,
      %get3A_248 = vector.shape_cast %get3A_247 : vector<16xi32> to vector<16xi32>
      %sub3A_249 = arith.constant 1 : i32
      %sub3A_250 = vector.broadcast %sub3A_249 : i32 to vector<16xi32>
      %sub3A_251 = arith.subi %get3A_248, %sub3A_250 : vector<16xi32>
      %mul3A_252 = arith.constant 16 : i32
      %mul3A_253 = vector.broadcast %mul3A_252 : i32 to vector<16xi32>
      %mul3A_254 = arith.muli %sub3A_251, %mul3A_253 : vector<16xi32>
      %add3A_255 = arith.addi %mul3A_254, %iota3A : vector<16xi32>
      %swap3A_256 = arith.index_cast %multiple_of3A_245 : i32 to index
      %swap3A_257 = tpu.vector_load %arg5[%swap3A_256] {strides = array<i32>} : memref<2048xi32, #tpu.memory_space<vmem>>, vector<16xi32>,
      %swap3A_258 = vector.shape_cast %swap3A_257 : vector<16xi32> to vector<16xi32>
      %swap3A_259 = vector.shape_cast %add3A_255 : vector<16xi32> to vector<16xi32>
      tpu.vector_store %arg5[%swap3A_256], %swap3A_259 {strides = array<i32>} : memref<2048xi32, #tpu.memory_space<vmem>>, vector<16xi32>,
      %mul3A_260 = arith.constant 16 : i32
      %mul3A_261 = arith.muli %add3A_237, %mul3A_260 : i32
      %multiple_of3A_262 = tpu.assume_multiple %mul3A_261, 16 : i32
      %dma_start3A_263 = arith.constant 2 : i32
      %dma_start3A_264 = arith.constant 2 : i32
      %dma_start3A_265 = arith.constant 0 : i32
      %dma_start3A_266 = arith.constant 0 : i32
      %dma_start3A_267 = tpu.memref_slice %arg6[%dma_start3A_263, %dma_start3A_265, %dma_start3A_266] : memref<8x16x512xf32, #tpu.memory_space<vmem>> -> memref<1x16x512xf32, #tpu.memory_space<vmem>>
      %dma_start3A_268 = tpu.memref_squeeze %dma_start3A_267 : memref<1x16x512xf32, #tpu.memory_space<vmem>> -> memref<16x512xf32, #tpu.memory_space<vmem>>
      %dma_start3A_269 = tpu.memref_slice %arg5[%multiple_of3A_262] : memref<2048xi32, #tpu.memory_space<vmem>> -> memref<16xi32, #tpu.memory_space<vmem>>
      %dma_start3A_270 = arith.constant 0 : i32
      %dma_start3A_271 = arith.constant 0 : i32
      %dma_start3A_272 = tpu.memref_slice %arg2[%dma_start3A_270, %dma_start3A_271] : memref<32768x512xf32, #tpu.memory_space<hbm>> -> memref<32768x512xf32, #tpu.memory_space<hbm>>
      %dma_start3A_273 = tpu.memref_slice %arg7[%dma_start3A_264] : memref<8x!tpu.dma_semaphore, #tpu.memory_space<semaphore_mem>> -> memref<1x!tpu.dma_semaphore, #tpu.memory_space<semaphore_mem>>
      %dma_start3A_274 = tpu.memref_squeeze %dma_start3A_273 : memref<1x!tpu.dma_semaphore, #tpu.memory_space<semaphore_mem>> -> memref<!tpu.dma_semaphore, #tpu.memory_space<semaphore_mem>>
      tpu.enqueue_indirect_dma source(%dma_start3A_272 : memref<32768x512xf32, #tpu.memory_space<hbm>>) target(%dma_start3A_268 : memref<16x512xf32, #tpu.memory_space<vmem>>) offsets(%dma_start3A_269 : memref<16xi32, #tpu.memory_space<vmem>>) semaphore(%dma_start3A_274 : memref<!tpu.dma_semaphore, #tpu.memory_space<semaphore_mem>>)
      %mul3A_275 = arith.constant 8 : i32
      %mul3A_276 = arith.muli %scan3A_158, %mul3A_275 : i32
      %add3A_277 = arith.constant 3 : i32
      %add3A_278 = arith.addi %mul3A_276, %add3A_277 : i32
      %gt3A_279 = arith.constant 0 : i32
      %gt3A_280 = arith.cmpi sgt, %scan3A_158, %gt3A_279 : i32
      %convert_element_type3A_281 = arith.extui %gt3A_280 : i1 to i32
      %cond3A_282 = arith.constant 0 : i32
      %cond3A_283 = arith.cmpi ne, %convert_element_type3A_281, %cond3A_282 : i32
      scf.if %cond3A_283 {
        %sub3A_792 = arith.constant 8 : i32
        %sub3A_793 = arith.subi %add3A_278, %sub3A_792 : i32
        %mul3A_794 = arith.constant 16 : i32
        %mul3A_795 = arith.muli %sub3A_793, %mul3A_794 : i32
        %multiple_of3A_796 = tpu.assume_multiple %mul3A_795, 16 : i32
        %add3A_797 = arith.addi %mul3A_2, %multiple_of3A_796 : i32
        %dma_wait3A_798 = arith.constant 3 : i32
        %dma_wait3A_799 = arith.constant 3 : i32
        %dma_wait3A_800 = arith.constant 0 : i32
        %dma_wait3A_801 = arith.constant 0 : i32
        %dma_wait3A_802 = tpu.memref_slice %arg6[%dma_wait3A_798, %dma_wait3A_800, %dma_wait3A_801] : memref<8x16x512xf32, #tpu.memory_space<vmem>> -> memref<1x16x512xf32, #tpu.memory_space<vmem>>
        %dma_wait3A_803 = tpu.memref_squeeze %dma_wait3A_802 : memref<1x16x512xf32, #tpu.memory_space<vmem>> -> memref<16x512xf32, #tpu.memory_space<vmem>>
        %dma_wait3A_804 = arith.constant 0 : i32
        %dma_wait3A_805 = tpu.memref_slice %arg4[%add3A_797, %dma_wait3A_804] : memref<65536x512xf32, #tpu.memory_space<hbm>> -> memref<16x512xf32, #tpu.memory_space<hbm>>
        %dma_wait3A_806 = tpu.memref_slice %arg8[%dma_wait3A_799] : memref<8x!tpu.dma_semaphore, #tpu.memory_space<semaphore_mem>> -> memref<1x!tpu.dma_semaphore, #tpu.memory_space<semaphore_mem>>
        %dma_wait3A_807 = tpu.memref_squeeze %dma_wait3A_806 : memref<1x!tpu.dma_semaphore, #tpu.memory_space<semaphore_mem>> -> memref<!tpu.dma_semaphore, #tpu.memory_space<semaphore_mem>>
        %dma_wait3A_808 = arith.constant 0 : i32
        %dma_wait3A_809 = tpu.memref_slice %arg4[%add3A_797, %dma_wait3A_808] : memref<65536x512xf32, #tpu.memory_space<hbm>> -> memref<16x512xf32, #tpu.memory_space<hbm>>
        %dma_wait3A_810 = arith.constant 0 : i32
        %dma_wait3A_811 = arith.constant 0 : i32
        %dma_wait3A_812 = tpu.memref_slice %arg6[%dma_wait3A_798, %dma_wait3A_810, %dma_wait3A_811] : memref<8x16x512xf32, #tpu.memory_space<vmem>> -> memref<1x16x512xf32, #tpu.memory_space<vmem>>
        %dma_wait3A_813 = tpu.memref_squeeze %dma_wait3A_812 : memref<1x16x512xf32, #tpu.memory_space<vmem>> -> memref<16x512xf32, #tpu.memory_space<vmem>>
        tpu.wait_dma2 semaphore(%dma_wait3A_807 : memref<!tpu.dma_semaphore, #tpu.memory_space<semaphore_mem>>) src(%dma_wait3A_813 : memref<16x512xf32, #tpu.memory_space<vmem>>) dst(%dma_wait3A_809 : memref<16x512xf32, #tpu.memory_space<hbm>>)
      } else {
      }
      %mul3A_284 = arith.constant 16 : i32
      %mul3A_285 = arith.muli %add3A_278, %mul3A_284 : i32
      %multiple_of3A_286 = tpu.assume_multiple %mul3A_285, 16 : i32
      %get3A_287 = arith.index_cast %multiple_of3A_286 : i32 to index
      %get3A_288 = tpu.vector_load %arg5[%get3A_287] {strides = array<i32>} : memref<2048xi32, #tpu.memory_space<vmem>>, vector<16xi32>,
      %get3A_289 = vector.shape_cast %get3A_288 : vector<16xi32> to vector<16xi32>
      %sub3A_290 = arith.constant 1 : i32
      %sub3A_291 = vector.broadcast %sub3A_290 : i32 to vector<16xi32>
      %sub3A_292 = arith.subi %get3A_289, %sub3A_291 : vector<16xi32>
      %mul3A_293 = arith.constant 16 : i32
      %mul3A_294 = vector.broadcast %mul3A_293 : i32 to vector<16xi32>
      %mul3A_295 = arith.muli %sub3A_292, %mul3A_294 : vector<16xi32>
      %add3A_296 = arith.addi %mul3A_295, %iota3A : vector<16xi32>
      %swap3A_297 = arith.index_cast %multiple_of3A_286 : i32 to index
      %swap3A_298 = tpu.vector_load %arg5[%swap3A_297] {strides = array<i32>} : memref<2048xi32, #tpu.memory_space<vmem>>, vector<16xi32>,
      %swap3A_299 = vector.shape_cast %swap3A_298 : vector<16xi32> to vector<16xi32>
      %swap3A_300 = vector.shape_cast %add3A_296 : vector<16xi32> to vector<16xi32>
      tpu.vector_store %arg5[%swap3A_297], %swap3A_300 {strides = array<i32>} : memref<2048xi32, #tpu.memory_space<vmem>>, vector<16xi32>,
      %mul3A_301 = arith.constant 16 : i32
      %mul3A_302 = arith.muli %add3A_278, %mul3A_301 : i32
      %multiple_of3A_303 = tpu.assume_multiple %mul3A_302, 16 : i32
      %dma_start3A_304 = arith.constant 3 : i32
      %dma_start3A_305 = arith.constant 3 : i32
      %dma_start3A_306 = arith.constant 0 : i32
      %dma_start3A_307 = arith.constant 0 : i32
      %dma_start3A_308 = tpu.memref_slice %arg6[%dma_start3A_304, %dma_start3A_306, %dma_start3A_307] : memref<8x16x512xf32, #tpu.memory_space<vmem>> -> memref<1x16x512xf32, #tpu.memory_space<vmem>>
      %dma_start3A_309 = tpu.memref_squeeze %dma_start3A_308 : memref<1x16x512xf32, #tpu.memory_space<vmem>> -> memref<16x512xf32, #tpu.memory_space<vmem>>
      %dma_start3A_310 = tpu.memref_slice %arg5[%multiple_of3A_303] : memref<2048xi32, #tpu.memory_space<vmem>> -> memref<16xi32, #tpu.memory_space<vmem>>
      %dma_start3A_311 = arith.constant 0 : i32
      %dma_start3A_312 = arith.constant 0 : i32
      %dma_start3A_313 = tpu.memref_slice %arg2[%dma_start3A_311, %dma_start3A_312] : memref<32768x512xf32, #tpu.memory_space<hbm>> -> memref<32768x512xf32, #tpu.memory_space<hbm>>
      %dma_start3A_314 = tpu.memref_slice %arg7[%dma_start3A_305] : memref<8x!tpu.dma_semaphore, #tpu.memory_space<semaphore_mem>> -> memref<1x!tpu.dma_semaphore, #tpu.memory_space<semaphore_mem>>
      %dma_start3A_315 = tpu.memref_squeeze %dma_start3A_314 : memref<1x!tpu.dma_semaphore, #tpu.memory_space<semaphore_mem>> -> memref<!tpu.dma_semaphore, #tpu.memory_space<semaphore_mem>>
      tpu.enqueue_indirect_dma source(%dma_start3A_313 : memref<32768x512xf32, #tpu.memory_space<hbm>>) target(%dma_start3A_309 : memref<16x512xf32, #tpu.memory_space<vmem>>) offsets(%dma_start3A_310 : memref<16xi32, #tpu.memory_space<vmem>>) semaphore(%dma_start3A_315 : memref<!tpu.dma_semaphore, #tpu.memory_space<semaphore_mem>>)
      %mul3A_316 = arith.constant 8 : i32
      %mul3A_317 = arith.muli %scan3A_158, %mul3A_316 : i32
      %add3A_318 = arith.constant 4 : i32
      %add3A_319 = arith.addi %mul3A_317, %add3A_318 : i32
      %gt3A_320 = arith.constant 0 : i32
      %gt3A_321 = arith.cmpi sgt, %scan3A_158, %gt3A_320 : i32
      %convert_element_type3A_322 = arith.extui %gt3A_321 : i1 to i32
      %cond3A_323 = arith.constant 0 : i32
      %cond3A_324 = arith.cmpi ne, %convert_element_type3A_322, %cond3A_323 : i32
      scf.if %cond3A_324 {
        %sub3A_792 = arith.constant 8 : i32
        %sub3A_793 = arith.subi %add3A_319, %sub3A_792 : i32
        %mul3A_794 = arith.constant 16 : i32
        %mul3A_795 = arith.muli %sub3A_793, %mul3A_794 : i32
        %multiple_of3A_796 = tpu.assume_multiple %mul3A_795, 16 : i32
        %add3A_797 = arith.addi %mul3A_2, %multiple_of3A_796 : i32
        %dma_wait3A_798 = arith.constant 4 : i32
        %dma_wait3A_799 = arith.constant 4 : i32
        %dma_wait3A_800 = arith.constant 0 : i32
        %dma_wait3A_801 = arith.constant 0 : i32
        %dma_wait3A_802 = tpu.memref_slice %arg6[%dma_wait3A_798, %dma_wait3A_800, %dma_wait3A_801] : memref<8x16x512xf32, #tpu.memory_space<vmem>> -> memref<1x16x512xf32, #tpu.memory_space<vmem>>
        %dma_wait3A_803 = tpu.memref_squeeze %dma_wait3A_802 : memref<1x16x512xf32, #tpu.memory_space<vmem>> -> memref<16x512xf32, #tpu.memory_space<vmem>>
        %dma_wait3A_804 = arith.constant 0 : i32
        %dma_wait3A_805 = tpu.memref_slice %arg4[%add3A_797, %dma_wait3A_804] : memref<65536x512xf32, #tpu.memory_space<hbm>> -> memref<16x512xf32, #tpu.memory_space<hbm>>
        %dma_wait3A_806 = tpu.memref_slice %arg8[%dma_wait3A_799] : memref<8x!tpu.dma_semaphore, #tpu.memory_space<semaphore_mem>> -> memref<1x!tpu.dma_semaphore, #tpu.memory_space<semaphore_mem>>
        %dma_wait3A_807 = tpu.memref_squeeze %dma_wait3A_806 : memref<1x!tpu.dma_semaphore, #tpu.memory_space<semaphore_mem>> -> memref<!tpu.dma_semaphore, #tpu.memory_space<semaphore_mem>>
        %dma_wait3A_808 = arith.constant 0 : i32
        %dma_wait3A_809 = tpu.memref_slice %arg4[%add3A_797, %dma_wait3A_808] : memref<65536x512xf32, #tpu.memory_space<hbm>> -> memref<16x512xf32, #tpu.memory_space<hbm>>
        %dma_wait3A_810 = arith.constant 0 : i32
        %dma_wait3A_811 = arith.constant 0 : i32
        %dma_wait3A_812 = tpu.memref_slice %arg6[%dma_wait3A_798, %dma_wait3A_810, %dma_wait3A_811] : memref<8x16x512xf32, #tpu.memory_space<vmem>> -> memref<1x16x512xf32, #tpu.memory_space<vmem>>
        %dma_wait3A_813 = tpu.memref_squeeze %dma_wait3A_812 : memref<1x16x512xf32, #tpu.memory_space<vmem>> -> memref<16x512xf32, #tpu.memory_space<vmem>>
        tpu.wait_dma2 semaphore(%dma_wait3A_807 : memref<!tpu.dma_semaphore, #tpu.memory_space<semaphore_mem>>) src(%dma_wait3A_813 : memref<16x512xf32, #tpu.memory_space<vmem>>) dst(%dma_wait3A_809 : memref<16x512xf32, #tpu.memory_space<hbm>>)
      } else {
      }
      %mul3A_325 = arith.constant 16 : i32
      %mul3A_326 = arith.muli %add3A_319, %mul3A_325 : i32
      %multiple_of3A_327 = tpu.assume_multiple %mul3A_326, 16 : i32
      %get3A_328 = arith.index_cast %multiple_of3A_327 : i32 to index
      %get3A_329 = tpu.vector_load %arg5[%get3A_328] {strides = array<i32>} : memref<2048xi32, #tpu.memory_space<vmem>>, vector<16xi32>,
      %get3A_330 = vector.shape_cast %get3A_329 : vector<16xi32> to vector<16xi32>
      %sub3A_331 = arith.constant 1 : i32
      %sub3A_332 = vector.broadcast %sub3A_331 : i32 to vector<16xi32>
      %sub3A_333 = arith.subi %get3A_330, %sub3A_332 : vector<16xi32>
      %mul3A_334 = arith.constant 16 : i32
      %mul3A_335 = vector.broadcast %mul3A_334 : i32 to vector<16xi32>
      %mul3A_336 = arith.muli %sub3A_333, %mul3A_335 : vector<16xi32>
      %add3A_337 = arith.addi %mul3A_336, %iota3A : vector<16xi32>
      %swap3A_338 = arith.index_cast %multiple_of3A_327 : i32 to index
      %swap3A_339 = tpu.vector_load %arg5[%swap3A_338] {strides = array<i32>} : memref<2048xi32, #tpu.memory_space<vmem>>, vector<16xi32>,
      %swap3A_340 = vector.shape_cast %swap3A_339 : vector<16xi32> to vector<16xi32>
      %swap3A_341 = vector.shape_cast %add3A_337 : vector<16xi32> to vector<16xi32>
      tpu.vector_store %arg5[%swap3A_338], %swap3A_341 {strides = array<i32>} : memref<2048xi32, #tpu.memory_space<vmem>>, vector<16xi32>,
      %mul3A_342 = arith.constant 16 : i32
      %mul3A_343 = arith.muli %add3A_319, %mul3A_342 : i32
      %multiple_of3A_344 = tpu.assume_multiple %mul3A_343, 16 : i32
      %dma_start3A_345 = arith.constant 4 : i32
      %dma_start3A_346 = arith.constant 4 : i32
      %dma_start3A_347 = arith.constant 0 : i32
      %dma_start3A_348 = arith.constant 0 : i32
      %dma_start3A_349 = tpu.memref_slice %arg6[%dma_start3A_345, %dma_start3A_347, %dma_start3A_348] : memref<8x16x512xf32, #tpu.memory_space<vmem>> -> memref<1x16x512xf32, #tpu.memory_space<vmem>>
      %dma_start3A_350 = tpu.memref_squeeze %dma_start3A_349 : memref<1x16x512xf32, #tpu.memory_space<vmem>> -> memref<16x512xf32, #tpu.memory_space<vmem>>
      %dma_start3A_351 = tpu.memref_slice %arg5[%multiple_of3A_344] : memref<2048xi32, #tpu.memory_space<vmem>> -> memref<16xi32, #tpu.memory_space<vmem>>
      %dma_start3A_352 = arith.constant 0 : i32
      %dma_start3A_353 = arith.constant 0 : i32
      %dma_start3A_354 = tpu.memref_slice %arg2[%dma_start3A_352, %dma_start3A_353] : memref<32768x512xf32, #tpu.memory_space<hbm>> -> memref<32768x512xf32, #tpu.memory_space<hbm>>
      %dma_start3A_355 = tpu.memref_slice %arg7[%dma_start3A_346] : memref<8x!tpu.dma_semaphore, #tpu.memory_space<semaphore_mem>> -> memref<1x!tpu.dma_semaphore, #tpu.memory_space<semaphore_mem>>
      %dma_start3A_356 = tpu.memref_squeeze %dma_start3A_355 : memref<1x!tpu.dma_semaphore, #tpu.memory_space<semaphore_mem>> -> memref<!tpu.dma_semaphore, #tpu.memory_space<semaphore_mem>>
      tpu.enqueue_indirect_dma source(%dma_start3A_354 : memref<32768x512xf32, #tpu.memory_space<hbm>>) target(%dma_start3A_350 : memref<16x512xf32, #tpu.memory_space<vmem>>) offsets(%dma_start3A_351 : memref<16xi32, #tpu.memory_space<vmem>>) semaphore(%dma_start3A_356 : memref<!tpu.dma_semaphore, #tpu.memory_space<semaphore_mem>>)
      %mul3A_357 = arith.constant 8 : i32
      %mul3A_358 = arith.muli %scan3A_158, %mul3A_357 : i32
      %add3A_359 = arith.constant 5 : i32
      %add3A_360 = arith.addi %mul3A_358, %add3A_359 : i32
      %gt3A_361 = arith.constant 0 : i32
      %gt3A_362 = arith.cmpi sgt, %scan3A_158, %gt3A_361 : i32
      %convert_element_type3A_363 = arith.extui %gt3A_362 : i1 to i32
      %cond3A_364 = arith.constant 0 : i32
      %cond3A_365 = arith.cmpi ne, %convert_element_type3A_363, %cond3A_364 : i32
      scf.if %cond3A_365 {
        %sub3A_792 = arith.constant 8 : i32
        %sub3A_793 = arith.subi %add3A_360, %sub3A_792 : i32
        %mul3A_794 = arith.constant 16 : i32
        %mul3A_795 = arith.muli %sub3A_793, %mul3A_794 : i32
        %multiple_of3A_796 = tpu.assume_multiple %mul3A_795, 16 : i32
        %add3A_797 = arith.addi %mul3A_2, %multiple_of3A_796 : i32
        %dma_wait3A_798 = arith.constant 5 : i32
        %dma_wait3A_799 = arith.constant 5 : i32
        %dma_wait3A_800 = arith.constant 0 : i32
        %dma_wait3A_801 = arith.constant 0 : i32
        %dma_wait3A_802 = tpu.memref_slice %arg6[%dma_wait3A_798, %dma_wait3A_800, %dma_wait3A_801] : memref<8x16x512xf32, #tpu.memory_space<vmem>> -> memref<1x16x512xf32, #tpu.memory_space<vmem>>
        %dma_wait3A_803 = tpu.memref_squeeze %dma_wait3A_802 : memref<1x16x512xf32, #tpu.memory_space<vmem>> -> memref<16x512xf32, #tpu.memory_space<vmem>>
        %dma_wait3A_804 = arith.constant 0 : i32
        %dma_wait3A_805 = tpu.memref_slice %arg4[%add3A_797, %dma_wait3A_804] : memref<65536x512xf32, #tpu.memory_space<hbm>> -> memref<16x512xf32, #tpu.memory_space<hbm>>
        %dma_wait3A_806 = tpu.memref_slice %arg8[%dma_wait3A_799] : memref<8x!tpu.dma_semaphore, #tpu.memory_space<semaphore_mem>> -> memref<1x!tpu.dma_semaphore, #tpu.memory_space<semaphore_mem>>
        %dma_wait3A_807 = tpu.memref_squeeze %dma_wait3A_806 : memref<1x!tpu.dma_semaphore, #tpu.memory_space<semaphore_mem>> -> memref<!tpu.dma_semaphore, #tpu.memory_space<semaphore_mem>>
        %dma_wait3A_808 = arith.constant 0 : i32
        %dma_wait3A_809 = tpu.memref_slice %arg4[%add3A_797, %dma_wait3A_808] : memref<65536x512xf32, #tpu.memory_space<hbm>> -> memref<16x512xf32, #tpu.memory_space<hbm>>
        %dma_wait3A_810 = arith.constant 0 : i32
        %dma_wait3A_811 = arith.constant 0 : i32
        %dma_wait3A_812 = tpu.memref_slice %arg6[%dma_wait3A_798, %dma_wait3A_810, %dma_wait3A_811] : memref<8x16x512xf32, #tpu.memory_space<vmem>> -> memref<1x16x512xf32, #tpu.memory_space<vmem>>
        %dma_wait3A_813 = tpu.memref_squeeze %dma_wait3A_812 : memref<1x16x512xf32, #tpu.memory_space<vmem>> -> memref<16x512xf32, #tpu.memory_space<vmem>>
        tpu.wait_dma2 semaphore(%dma_wait3A_807 : memref<!tpu.dma_semaphore, #tpu.memory_space<semaphore_mem>>) src(%dma_wait3A_813 : memref<16x512xf32, #tpu.memory_space<vmem>>) dst(%dma_wait3A_809 : memref<16x512xf32, #tpu.memory_space<hbm>>)
      } else {
      }
      %mul3A_366 = arith.constant 16 : i32
      %mul3A_367 = arith.muli %add3A_360, %mul3A_366 : i32
      %multiple_of3A_368 = tpu.assume_multiple %mul3A_367, 16 : i32
      %get3A_369 = arith.index_cast %multiple_of3A_368 : i32 to index
      %get3A_370 = tpu.vector_load %arg5[%get3A_369] {strides = array<i32>} : memref<2048xi32, #tpu.memory_space<vmem>>, vector<16xi32>,
      %get3A_371 = vector.shape_cast %get3A_370 : vector<16xi32> to vector<16xi32>
      %sub3A_372 = arith.constant 1 : i32
      %sub3A_373 = vector.broadcast %sub3A_372 : i32 to vector<16xi32>
      %sub3A_374 = arith.subi %get3A_371, %sub3A_373 : vector<16xi32>
      %mul3A_375 = arith.constant 16 : i32
      %mul3A_376 = vector.broadcast %mul3A_375 : i32 to vector<16xi32>
      %mul3A_377 = arith.muli %sub3A_374, %mul3A_376 : vector<16xi32>
      %add3A_378 = arith.addi %mul3A_377, %iota3A : vector<16xi32>
      %swap3A_379 = arith.index_cast %multiple_of3A_368 : i32 to index
      %swap3A_380 = tpu.vector_load %arg5[%swap3A_379] {strides = array<i32>} : memref<2048xi32, #tpu.memory_space<vmem>>, vector<16xi32>,
      %swap3A_381 = vector.shape_cast %swap3A_380 : vector<16xi32> to vector<16xi32>
      %swap3A_382 = vector.shape_cast %add3A_378 : vector<16xi32> to vector<16xi32>
      tpu.vector_store %arg5[%swap3A_379], %swap3A_382 {strides = array<i32>} : memref<2048xi32, #tpu.memory_space<vmem>>, vector<16xi32>,
      %mul3A_383 = arith.constant 16 : i32
      %mul3A_384 = arith.muli %add3A_360, %mul3A_383 : i32
      %multiple_of3A_385 = tpu.assume_multiple %mul3A_384, 16 : i32
      %dma_start3A_386 = arith.constant 5 : i32
      %dma_start3A_387 = arith.constant 5 : i32
      %dma_start3A_388 = arith.constant 0 : i32
      %dma_start3A_389 = arith.constant 0 : i32
      %dma_start3A_390 = tpu.memref_slice %arg6[%dma_start3A_386, %dma_start3A_388, %dma_start3A_389] : memref<8x16x512xf32, #tpu.memory_space<vmem>> -> memref<1x16x512xf32, #tpu.memory_space<vmem>>
      %dma_start3A_391 = tpu.memref_squeeze %dma_start3A_390 : memref<1x16x512xf32, #tpu.memory_space<vmem>> -> memref<16x512xf32, #tpu.memory_space<vmem>>
      %dma_start3A_392 = tpu.memref_slice %arg5[%multiple_of3A_385] : memref<2048xi32, #tpu.memory_space<vmem>> -> memref<16xi32, #tpu.memory_space<vmem>>
      %dma_start3A_393 = arith.constant 0 : i32
      %dma_start3A_394 = arith.constant 0 : i32
      %dma_start3A_395 = tpu.memref_slice %arg2[%dma_start3A_393, %dma_start3A_394] : memref<32768x512xf32, #tpu.memory_space<hbm>> -> memref<32768x512xf32, #tpu.memory_space<hbm>>
      %dma_start3A_396 = tpu.memref_slice %arg7[%dma_start3A_387] : memref<8x!tpu.dma_semaphore, #tpu.memory_space<semaphore_mem>> -> memref<1x!tpu.dma_semaphore, #tpu.memory_space<semaphore_mem>>
      %dma_start3A_397 = tpu.memref_squeeze %dma_start3A_396 : memref<1x!tpu.dma_semaphore, #tpu.memory_space<semaphore_mem>> -> memref<!tpu.dma_semaphore, #tpu.memory_space<semaphore_mem>>
      tpu.enqueue_indirect_dma source(%dma_start3A_395 : memref<32768x512xf32, #tpu.memory_space<hbm>>) target(%dma_start3A_391 : memref<16x512xf32, #tpu.memory_space<vmem>>) offsets(%dma_start3A_392 : memref<16xi32, #tpu.memory_space<vmem>>) semaphore(%dma_start3A_397 : memref<!tpu.dma_semaphore, #tpu.memory_space<semaphore_mem>>)
      %mul3A_398 = arith.constant 8 : i32
      %mul3A_399 = arith.muli %scan3A_158, %mul3A_398 : i32
      %add3A_400 = arith.constant 6 : i32
      %add3A_401 = arith.addi %mul3A_399, %add3A_400 : i32
      %gt3A_402 = arith.constant 0 : i32
      %gt3A_403 = arith.cmpi sgt, %scan3A_158, %gt3A_402 : i32
      %convert_element_type3A_404 = arith.extui %gt3A_403 : i1 to i32
      %cond3A_405 = arith.constant 0 : i32
      %cond3A_406 = arith.cmpi ne, %convert_element_type3A_404, %cond3A_405 : i32
      scf.if %cond3A_406 {
        %sub3A_792 = arith.constant 8 : i32
        %sub3A_793 = arith.subi %add3A_401, %sub3A_792 : i32
        %mul3A_794 = arith.constant 16 : i32
        %mul3A_795 = arith.muli %sub3A_793, %mul3A_794 : i32
        %multiple_of3A_796 = tpu.assume_multiple %mul3A_795, 16 : i32
        %add3A_797 = arith.addi %mul3A_2, %multiple_of3A_796 : i32
        %dma_wait3A_798 = arith.constant 6 : i32
        %dma_wait3A_799 = arith.constant 6 : i32
        %dma_wait3A_800 = arith.constant 0 : i32
        %dma_wait3A_801 = arith.constant 0 : i32
        %dma_wait3A_802 = tpu.memref_slice %arg6[%dma_wait3A_798, %dma_wait3A_800, %dma_wait3A_801] : memref<8x16x512xf32, #tpu.memory_space<vmem>> -> memref<1x16x512xf32, #tpu.memory_space<vmem>>
        %dma_wait3A_803 = tpu.memref_squeeze %dma_wait3A_802 : memref<1x16x512xf32, #tpu.memory_space<vmem>> -> memref<16x512xf32, #tpu.memory_space<vmem>>
        %dma_wait3A_804 = arith.constant 0 : i32
        %dma_wait3A_805 = tpu.memref_slice %arg4[%add3A_797, %dma_wait3A_804] : memref<65536x512xf32, #tpu.memory_space<hbm>> -> memref<16x512xf32, #tpu.memory_space<hbm>>
        %dma_wait3A_806 = tpu.memref_slice %arg8[%dma_wait3A_799] : memref<8x!tpu.dma_semaphore, #tpu.memory_space<semaphore_mem>> -> memref<1x!tpu.dma_semaphore, #tpu.memory_space<semaphore_mem>>
        %dma_wait3A_807 = tpu.memref_squeeze %dma_wait3A_806 : memref<1x!tpu.dma_semaphore, #tpu.memory_space<semaphore_mem>> -> memref<!tpu.dma_semaphore, #tpu.memory_space<semaphore_mem>>
        %dma_wait3A_808 = arith.constant 0 : i32
        %dma_wait3A_809 = tpu.memref_slice %arg4[%add3A_797, %dma_wait3A_808] : memref<65536x512xf32, #tpu.memory_space<hbm>> -> memref<16x512xf32, #tpu.memory_space<hbm>>
        %dma_wait3A_810 = arith.constant 0 : i32
        %dma_wait3A_811 = arith.constant 0 : i32
        %dma_wait3A_812 = tpu.memref_slice %arg6[%dma_wait3A_798, %dma_wait3A_810, %dma_wait3A_811] : memref<8x16x512xf32, #tpu.memory_space<vmem>> -> memref<1x16x512xf32, #tpu.memory_space<vmem>>
        %dma_wait3A_813 = tpu.memref_squeeze %dma_wait3A_812 : memref<1x16x512xf32, #tpu.memory_space<vmem>> -> memref<16x512xf32, #tpu.memory_space<vmem>>
        tpu.wait_dma2 semaphore(%dma_wait3A_807 : memref<!tpu.dma_semaphore, #tpu.memory_space<semaphore_mem>>) src(%dma_wait3A_813 : memref<16x512xf32, #tpu.memory_space<vmem>>) dst(%dma_wait3A_809 : memref<16x512xf32, #tpu.memory_space<hbm>>)
      } else {
      }
      %mul3A_407 = arith.constant 16 : i32
      %mul3A_408 = arith.muli %add3A_401, %mul3A_407 : i32
      %multiple_of3A_409 = tpu.assume_multiple %mul3A_408, 16 : i32
      %get3A_410 = arith.index_cast %multiple_of3A_409 : i32 to index
      %get3A_411 = tpu.vector_load %arg5[%get3A_410] {strides = array<i32>} : memref<2048xi32, #tpu.memory_space<vmem>>, vector<16xi32>,
      %get3A_412 = vector.shape_cast %get3A_411 : vector<16xi32> to vector<16xi32>
      %sub3A_413 = arith.constant 1 : i32
      %sub3A_414 = vector.broadcast %sub3A_413 : i32 to vector<16xi32>
      %sub3A_415 = arith.subi %get3A_412, %sub3A_414 : vector<16xi32>
      %mul3A_416 = arith.constant 16 : i32
      %mul3A_417 = vector.broadcast %mul3A_416 : i32 to vector<16xi32>
      %mul3A_418 = arith.muli %sub3A_415, %mul3A_417 : vector<16xi32>
      %add3A_419 = arith.addi %mul3A_418, %iota3A : vector<16xi32>
      %swap3A_420 = arith.index_cast %multiple_of3A_409 : i32 to index
      %swap3A_421 = tpu.vector_load %arg5[%swap3A_420] {strides = array<i32>} : memref<2048xi32, #tpu.memory_space<vmem>>, vector<16xi32>,
      %swap3A_422 = vector.shape_cast %swap3A_421 : vector<16xi32> to vector<16xi32>
      %swap3A_423 = vector.shape_cast %add3A_419 : vector<16xi32> to vector<16xi32>
      tpu.vector_store %arg5[%swap3A_420], %swap3A_423 {strides = array<i32>} : memref<2048xi32, #tpu.memory_space<vmem>>, vector<16xi32>,
      %mul3A_424 = arith.constant 16 : i32
      %mul3A_425 = arith.muli %add3A_401, %mul3A_424 : i32
      %multiple_of3A_426 = tpu.assume_multiple %mul3A_425, 16 : i32
      %dma_start3A_427 = arith.constant 6 : i32
      %dma_start3A_428 = arith.constant 6 : i32
      %dma_start3A_429 = arith.constant 0 : i32
      %dma_start3A_430 = arith.constant 0 : i32
      %dma_start3A_431 = tpu.memref_slice %arg6[%dma_start3A_427, %dma_start3A_429, %dma_start3A_430] : memref<8x16x512xf32, #tpu.memory_space<vmem>> -> memref<1x16x512xf32, #tpu.memory_space<vmem>>
      %dma_start3A_432 = tpu.memref_squeeze %dma_start3A_431 : memref<1x16x512xf32, #tpu.memory_space<vmem>> -> memref<16x512xf32, #tpu.memory_space<vmem>>
      %dma_start3A_433 = tpu.memref_slice %arg5[%multiple_of3A_426] : memref<2048xi32, #tpu.memory_space<vmem>> -> memref<16xi32, #tpu.memory_space<vmem>>
      %dma_start3A_434 = arith.constant 0 : i32
      %dma_start3A_435 = arith.constant 0 : i32
      %dma_start3A_436 = tpu.memref_slice %arg2[%dma_start3A_434, %dma_start3A_435] : memref<32768x512xf32, #tpu.memory_space<hbm>> -> memref<32768x512xf32, #tpu.memory_space<hbm>>
      %dma_start3A_437 = tpu.memref_slice %arg7[%dma_start3A_428] : memref<8x!tpu.dma_semaphore, #tpu.memory_space<semaphore_mem>> -> memref<1x!tpu.dma_semaphore, #tpu.memory_space<semaphore_mem>>
      %dma_start3A_438 = tpu.memref_squeeze %dma_start3A_437 : memref<1x!tpu.dma_semaphore, #tpu.memory_space<semaphore_mem>> -> memref<!tpu.dma_semaphore, #tpu.memory_space<semaphore_mem>>
      tpu.enqueue_indirect_dma source(%dma_start3A_436 : memref<32768x512xf32, #tpu.memory_space<hbm>>) target(%dma_start3A_432 : memref<16x512xf32, #tpu.memory_space<vmem>>) offsets(%dma_start3A_433 : memref<16xi32, #tpu.memory_space<vmem>>) semaphore(%dma_start3A_438 : memref<!tpu.dma_semaphore, #tpu.memory_space<semaphore_mem>>)
      %mul3A_439 = arith.constant 8 : i32
      %mul3A_440 = arith.muli %scan3A_158, %mul3A_439 : i32
      %add3A_441 = arith.constant 7 : i32
      %add3A_442 = arith.addi %mul3A_440, %add3A_441 : i32
      %gt3A_443 = arith.constant 0 : i32
      %gt3A_444 = arith.cmpi sgt, %scan3A_158, %gt3A_443 : i32
      %convert_element_type3A_445 = arith.extui %gt3A_444 : i1 to i32
      %cond3A_446 = arith.constant 0 : i32
      %cond3A_447 = arith.cmpi ne, %convert_element_type3A_445, %cond3A_446 : i32
      scf.if %cond3A_447 {
        %sub3A_792 = arith.constant 8 : i32
        %sub3A_793 = arith.subi %add3A_442, %sub3A_792 : i32
        %mul3A_794 = arith.constant 16 : i32
        %mul3A_795 = arith.muli %sub3A_793, %mul3A_794 : i32
        %multiple_of3A_796 = tpu.assume_multiple %mul3A_795, 16 : i32
        %add3A_797 = arith.addi %mul3A_2, %multiple_of3A_796 : i32
        %dma_wait3A_798 = arith.constant 7 : i32
        %dma_wait3A_799 = arith.constant 7 : i32
        %dma_wait3A_800 = arith.constant 0 : i32
        %dma_wait3A_801 = arith.constant 0 : i32
        %dma_wait3A_802 = tpu.memref_slice %arg6[%dma_wait3A_798, %dma_wait3A_800, %dma_wait3A_801] : memref<8x16x512xf32, #tpu.memory_space<vmem>> -> memref<1x16x512xf32, #tpu.memory_space<vmem>>
        %dma_wait3A_803 = tpu.memref_squeeze %dma_wait3A_802 : memref<1x16x512xf32, #tpu.memory_space<vmem>> -> memref<16x512xf32, #tpu.memory_space<vmem>>
        %dma_wait3A_804 = arith.constant 0 : i32
        %dma_wait3A_805 = tpu.memref_slice %arg4[%add3A_797, %dma_wait3A_804] : memref<65536x512xf32, #tpu.memory_space<hbm>> -> memref<16x512xf32, #tpu.memory_space<hbm>>
        %dma_wait3A_806 = tpu.memref_slice %arg8[%dma_wait3A_799] : memref<8x!tpu.dma_semaphore, #tpu.memory_space<semaphore_mem>> -> memref<1x!tpu.dma_semaphore, #tpu.memory_space<semaphore_mem>>
        %dma_wait3A_807 = tpu.memref_squeeze %dma_wait3A_806 : memref<1x!tpu.dma_semaphore, #tpu.memory_space<semaphore_mem>> -> memref<!tpu.dma_semaphore, #tpu.memory_space<semaphore_mem>>
        %dma_wait3A_808 = arith.constant 0 : i32
        %dma_wait3A_809 = tpu.memref_slice %arg4[%add3A_797, %dma_wait3A_808] : memref<65536x512xf32, #tpu.memory_space<hbm>> -> memref<16x512xf32, #tpu.memory_space<hbm>>
        %dma_wait3A_810 = arith.constant 0 : i32
        %dma_wait3A_811 = arith.constant 0 : i32
        %dma_wait3A_812 = tpu.memref_slice %arg6[%dma_wait3A_798, %dma_wait3A_810, %dma_wait3A_811] : memref<8x16x512xf32, #tpu.memory_space<vmem>> -> memref<1x16x512xf32, #tpu.memory_space<vmem>>
        %dma_wait3A_813 = tpu.memref_squeeze %dma_wait3A_812 : memref<1x16x512xf32, #tpu.memory_space<vmem>> -> memref<16x512xf32, #tpu.memory_space<vmem>>
        tpu.wait_dma2 semaphore(%dma_wait3A_807 : memref<!tpu.dma_semaphore, #tpu.memory_space<semaphore_mem>>) src(%dma_wait3A_813 : memref<16x512xf32, #tpu.memory_space<vmem>>) dst(%dma_wait3A_809 : memref<16x512xf32, #tpu.memory_space<hbm>>)
      } else {
      }
      %mul3A_448 = arith.constant 16 : i32
      %mul3A_449 = arith.muli %add3A_442, %mul3A_448 : i32
      %multiple_of3A_450 = tpu.assume_multiple %mul3A_449, 16 : i32
      %get3A_451 = arith.index_cast %multiple_of3A_450 : i32 to index
      %get3A_452 = tpu.vector_load %arg5[%get3A_451] {strides = array<i32>} : memref<2048xi32, #tpu.memory_space<vmem>>, vector<16xi32>,
      %get3A_453 = vector.shape_cast %get3A_452 : vector<16xi32> to vector<16xi32>
      %sub3A_454 = arith.constant 1 : i32
      %sub3A_455 = vector.broadcast %sub3A_454 : i32 to vector<16xi32>
      %sub3A_456 = arith.subi %get3A_453, %sub3A_455 : vector<16xi32>
      %mul3A_457 = arith.constant 16 : i32
      %mul3A_458 = vector.broadcast %mul3A_457 : i32 to vector<16xi32>
      %mul3A_459 = arith.muli %sub3A_456, %mul3A_458 : vector<16xi32>
      %add3A_460 = arith.addi %mul3A_459, %iota3A : vector<16xi32>
      %swap3A_461 = arith.index_cast %multiple_of3A_450 : i32 to index
      %swap3A_462 = tpu.vector_load %arg5[%swap3A_461] {strides = array<i32>} : memref<2048xi32, #tpu.memory_space<vmem>>, vector<16xi32>,
      %swap3A_463 = vector.shape_cast %swap3A_462 : vector<16xi32> to vector<16xi32>
      %swap3A_464 = vector.shape_cast %add3A_460 : vector<16xi32> to vector<16xi32>
      tpu.vector_store %arg5[%swap3A_461], %swap3A_464 {strides = array<i32>} : memref<2048xi32, #tpu.memory_space<vmem>>, vector<16xi32>,
      %mul3A_465 = arith.constant 16 : i32
      %mul3A_466 = arith.muli %add3A_442, %mul3A_465 : i32
      %multiple_of3A_467 = tpu.assume_multiple %mul3A_466, 16 : i32
      %dma_start3A_468 = arith.constant 7 : i32
      %dma_start3A_469 = arith.constant 7 : i32
      %dma_start3A_470 = arith.constant 0 : i32
      %dma_start3A_471 = arith.constant 0 : i32
      %dma_start3A_472 = tpu.memref_slice %arg6[%dma_start3A_468, %dma_start3A_470, %dma_start3A_471] : memref<8x16x512xf32, #tpu.memory_space<vmem>> -> memref<1x16x512xf32, #tpu.memory_space<vmem>>
      %dma_start3A_473 = tpu.memref_squeeze %dma_start3A_472 : memref<1x16x512xf32, #tpu.memory_space<vmem>> -> memref<16x512xf32, #tpu.memory_space<vmem>>
      %dma_start3A_474 = tpu.memref_slice %arg5[%multiple_of3A_467] : memref<2048xi32, #tpu.memory_space<vmem>> -> memref<16xi32, #tpu.memory_space<vmem>>
      %dma_start3A_475 = arith.constant 0 : i32
      %dma_start3A_476 = arith.constant 0 : i32
      %dma_start3A_477 = tpu.memref_slice %arg2[%dma_start3A_475, %dma_start3A_476] : memref<32768x512xf32, #tpu.memory_space<hbm>> -> memref<32768x512xf32, #tpu.memory_space<hbm>>
      %dma_start3A_478 = tpu.memref_slice %arg7[%dma_start3A_469] : memref<8x!tpu.dma_semaphore, #tpu.memory_space<semaphore_mem>> -> memref<1x!tpu.dma_semaphore, #tpu.memory_space<semaphore_mem>>
      %dma_start3A_479 = tpu.memref_squeeze %dma_start3A_478 : memref<1x!tpu.dma_semaphore, #tpu.memory_space<semaphore_mem>> -> memref<!tpu.dma_semaphore, #tpu.memory_space<semaphore_mem>>
      tpu.enqueue_indirect_dma source(%dma_start3A_477 : memref<32768x512xf32, #tpu.memory_space<hbm>>) target(%dma_start3A_473 : memref<16x512xf32, #tpu.memory_space<vmem>>) offsets(%dma_start3A_474 : memref<16xi32, #tpu.memory_space<vmem>>) semaphore(%dma_start3A_479 : memref<!tpu.dma_semaphore, #tpu.memory_space<semaphore_mem>>)
      %mul3A_480 = arith.constant 8 : i32
      %mul3A_481 = arith.muli %scan3A_158, %mul3A_480 : i32
      %add3A_482 = arith.constant 0 : i32
      %add3A_483 = arith.addi %mul3A_481, %add3A_482 : i32
      %mul3A_484 = arith.constant 16 : i32
      %mul3A_485 = arith.muli %add3A_483, %mul3A_484 : i32
      %multiple_of3A_486 = tpu.assume_multiple %mul3A_485, 16 : i32
      %dma_wait3A_487 = arith.constant 0 : i32
      %dma_wait3A_488 = arith.constant 0 : i32
      %dma_wait3A_489 = arith.constant 0 : i32
      %dma_wait3A_490 = arith.constant 0 : i32
      %dma_wait3A_491 = tpu.memref_slice %arg6[%dma_wait3A_487, %dma_wait3A_489, %dma_wait3A_490] : memref<8x16x512xf32, #tpu.memory_space<vmem>> -> memref<1x16x512xf32, #tpu.memory_space<vmem>>
      %dma_wait3A_492 = tpu.memref_squeeze %dma_wait3A_491 : memref<1x16x512xf32, #tpu.memory_space<vmem>> -> memref<16x512xf32, #tpu.memory_space<vmem>>
      %dma_wait3A_493 = tpu.memref_slice %arg5[%multiple_of3A_486] : memref<2048xi32, #tpu.memory_space<vmem>> -> memref<16xi32, #tpu.memory_space<vmem>>
      %dma_wait3A_494 = arith.constant 0 : i32
      %dma_wait3A_495 = arith.constant 0 : i32
      %dma_wait3A_496 = tpu.memref_slice %arg2[%dma_wait3A_494, %dma_wait3A_495] : memref<32768x512xf32, #tpu.memory_space<hbm>> -> memref<32768x512xf32, #tpu.memory_space<hbm>>
      %dma_wait3A_497 = tpu.memref_slice %arg7[%dma_wait3A_488] : memref<8x!tpu.dma_semaphore, #tpu.memory_space<semaphore_mem>> -> memref<1x!tpu.dma_semaphore, #tpu.memory_space<semaphore_mem>>
      %dma_wait3A_498 = tpu.memref_squeeze %dma_wait3A_497 : memref<1x!tpu.dma_semaphore, #tpu.memory_space<semaphore_mem>> -> memref<!tpu.dma_semaphore, #tpu.memory_space<semaphore_mem>>
      tpu.wait_indirect_dma semaphore(%dma_wait3A_498 : memref<!tpu.dma_semaphore, #tpu.memory_space<semaphore_mem>>) src(%dma_wait3A_496 : memref<32768x512xf32, #tpu.memory_space<hbm>>) dst(%dma_wait3A_492 : memref<16x512xf32, #tpu.memory_space<vmem>>)
      %mul3A_499 = arith.constant 16 : i32
      %mul3A_500 = arith.muli %add3A_483, %mul3A_499 : i32
      %multiple_of3A_501 = tpu.assume_multiple %mul3A_500, 16 : i32
      %add3A_502 = arith.addi %mul3A_2, %multiple_of3A_501 : i32
      %dma_start3A_503 = arith.constant 0 : i32
      %dma_start3A_504 = arith.constant 0 : i32
      %dma_start3A_505 = arith.constant 0 : i32
      %dma_start3A_506 = arith.constant 0 : i32
      %dma_start3A_507 = tpu.memref_slice %arg6[%dma_start3A_503, %dma_start3A_505, %dma_start3A_506] : memref<8x16x512xf32, #tpu.memory_space<vmem>> -> memref<1x16x512xf32, #tpu.memory_space<vmem>>
      %dma_start3A_508 = tpu.memref_squeeze %dma_start3A_507 : memref<1x16x512xf32, #tpu.memory_space<vmem>> -> memref<16x512xf32, #tpu.memory_space<vmem>>
      %dma_start3A_509 = arith.constant 0 : i32
      %dma_start3A_510 = tpu.memref_slice %arg4[%add3A_502, %dma_start3A_509] : memref<65536x512xf32, #tpu.memory_space<hbm>> -> memref<16x512xf32, #tpu.memory_space<hbm>>
      %dma_start3A_511 = tpu.memref_slice %arg8[%dma_start3A_504] : memref<8x!tpu.dma_semaphore, #tpu.memory_space<semaphore_mem>> -> memref<1x!tpu.dma_semaphore, #tpu.memory_space<semaphore_mem>>
      %dma_start3A_512 = tpu.memref_squeeze %dma_start3A_511 : memref<1x!tpu.dma_semaphore, #tpu.memory_space<semaphore_mem>> -> memref<!tpu.dma_semaphore, #tpu.memory_space<semaphore_mem>>
      %dma_start3A_513 = arith.constant 0 : i32
      %dma_start3A_514 = tpu.memref_slice %arg4[%add3A_502, %dma_start3A_513] : memref<65536x512xf32, #tpu.memory_space<hbm>> -> memref<16x512xf32, #tpu.memory_space<hbm>>
      %dma_start3A_515 = arith.constant 0 : i32
      %dma_start3A_516 = arith.constant 0 : i32
      %dma_start3A_517 = tpu.memref_slice %arg6[%dma_start3A_503, %dma_start3A_515, %dma_start3A_516] : memref<8x16x512xf32, #tpu.memory_space<vmem>> -> memref<1x16x512xf32, #tpu.memory_space<vmem>>
      %dma_start3A_518 = tpu.memref_squeeze %dma_start3A_517 : memref<1x16x512xf32, #tpu.memory_space<vmem>> -> memref<16x512xf32, #tpu.memory_space<vmem>>
      tpu.enqueue_dma source(%dma_start3A_518 : memref<16x512xf32, #tpu.memory_space<vmem>>) target(%dma_start3A_514 : memref<16x512xf32, #tpu.memory_space<hbm>>) target_semaphore(%dma_start3A_512 : memref<!tpu.dma_semaphore, #tpu.memory_space<semaphore_mem>>)
      %mul3A_519 = arith.constant 8 : i32
      %mul3A_520 = arith.muli %scan3A_158, %mul3A_519 : i32
      %add3A_521 = arith.constant 1 : i32
      %add3A_522 = arith.addi %mul3A_520, %add3A_521 : i32
      %mul3A_523 = arith.constant 16 : i32
      %mul3A_524 = arith.muli %add3A_522, %mul3A_523 : i32
      %multiple_of3A_525 = tpu.assume_multiple %mul3A_524, 16 : i32
      %dma_wait3A_526 = arith.constant 1 : i32
      %dma_wait3A_527 = arith.constant 1 : i32
      %dma_wait3A_528 = arith.constant 0 : i32
      %dma_wait3A_529 = arith.constant 0 : i32
      %dma_wait3A_530 = tpu.memref_slice %arg6[%dma_wait3A_526, %dma_wait3A_528, %dma_wait3A_529] : memref<8x16x512xf32, #tpu.memory_space<vmem>> -> memref<1x16x512xf32, #tpu.memory_space<vmem>>
      %dma_wait3A_531 = tpu.memref_squeeze %dma_wait3A_530 : memref<1x16x512xf32, #tpu.memory_space<vmem>> -> memref<16x512xf32, #tpu.memory_space<vmem>>
      %dma_wait3A_532 = tpu.memref_slice %arg5[%multiple_of3A_525] : memref<2048xi32, #tpu.memory_space<vmem>> -> memref<16xi32, #tpu.memory_space<vmem>>
      %dma_wait3A_533 = arith.constant 0 : i32
      %dma_wait3A_534 = arith.constant 0 : i32
      %dma_wait3A_535 = tpu.memref_slice %arg2[%dma_wait3A_533, %dma_wait3A_534] : memref<32768x512xf32, #tpu.memory_space<hbm>> -> memref<32768x512xf32, #tpu.memory_space<hbm>>
      %dma_wait3A_536 = tpu.memref_slice %arg7[%dma_wait3A_527] : memref<8x!tpu.dma_semaphore, #tpu.memory_space<semaphore_mem>> -> memref<1x!tpu.dma_semaphore, #tpu.memory_space<semaphore_mem>>
      %dma_wait3A_537 = tpu.memref_squeeze %dma_wait3A_536 : memref<1x!tpu.dma_semaphore, #tpu.memory_space<semaphore_mem>> -> memref<!tpu.dma_semaphore, #tpu.memory_space<semaphore_mem>>
      tpu.wait_indirect_dma semaphore(%dma_wait3A_537 : memref<!tpu.dma_semaphore, #tpu.memory_space<semaphore_mem>>) src(%dma_wait3A_535 : memref<32768x512xf32, #tpu.memory_space<hbm>>) dst(%dma_wait3A_531 : memref<16x512xf32, #tpu.memory_space<vmem>>)
      %mul3A_538 = arith.constant 16 : i32
      %mul3A_539 = arith.muli %add3A_522, %mul3A_538 : i32
      %multiple_of3A_540 = tpu.assume_multiple %mul3A_539, 16 : i32
      %add3A_541 = arith.addi %mul3A_2, %multiple_of3A_540 : i32
      %dma_start3A_542 = arith.constant 1 : i32
      %dma_start3A_543 = arith.constant 1 : i32
      %dma_start3A_544 = arith.constant 0 : i32
      %dma_start3A_545 = arith.constant 0 : i32
      %dma_start3A_546 = tpu.memref_slice %arg6[%dma_start3A_542, %dma_start3A_544, %dma_start3A_545] : memref<8x16x512xf32, #tpu.memory_space<vmem>> -> memref<1x16x512xf32, #tpu.memory_space<vmem>>
      %dma_start3A_547 = tpu.memref_squeeze %dma_start3A_546 : memref<1x16x512xf32, #tpu.memory_space<vmem>> -> memref<16x512xf32, #tpu.memory_space<vmem>>
      %dma_start3A_548 = arith.constant 0 : i32
      %dma_start3A_549 = tpu.memref_slice %arg4[%add3A_541, %dma_start3A_548] : memref<65536x512xf32, #tpu.memory_space<hbm>> -> memref<16x512xf32, #tpu.memory_space<hbm>>
      %dma_start3A_550 = tpu.memref_slice %arg8[%dma_start3A_543] : memref<8x!tpu.dma_semaphore, #tpu.memory_space<semaphore_mem>> -> memref<1x!tpu.dma_semaphore, #tpu.memory_space<semaphore_mem>>
      %dma_start3A_551 = tpu.memref_squeeze %dma_start3A_550 : memref<1x!tpu.dma_semaphore, #tpu.memory_space<semaphore_mem>> -> memref<!tpu.dma_semaphore, #tpu.memory_space<semaphore_mem>>
      %dma_start3A_552 = arith.constant 0 : i32
      %dma_start3A_553 = tpu.memref_slice %arg4[%add3A_541, %dma_start3A_552] : memref<65536x512xf32, #tpu.memory_space<hbm>> -> memref<16x512xf32, #tpu.memory_space<hbm>>
      %dma_start3A_554 = arith.constant 0 : i32
      %dma_start3A_555 = arith.constant 0 : i32
      %dma_start3A_556 = tpu.memref_slice %arg6[%dma_start3A_542, %dma_start3A_554, %dma_start3A_555] : memref<8x16x512xf32, #tpu.memory_space<vmem>> -> memref<1x16x512xf32, #tpu.memory_space<vmem>>
      %dma_start3A_557 = tpu.memref_squeeze %dma_start3A_556 : memref<1x16x512xf32, #tpu.memory_space<vmem>> -> memref<16x512xf32, #tpu.memory_space<vmem>>
      tpu.enqueue_dma source(%dma_start3A_557 : memref<16x512xf32, #tpu.memory_space<vmem>>) target(%dma_start3A_553 : memref<16x512xf32, #tpu.memory_space<hbm>>) target_semaphore(%dma_start3A_551 : memref<!tpu.dma_semaphore, #tpu.memory_space<semaphore_mem>>)
      %mul3A_558 = arith.constant 8 : i32
      %mul3A_559 = arith.muli %scan3A_158, %mul3A_558 : i32
      %add3A_560 = arith.constant 2 : i32
      %add3A_561 = arith.addi %mul3A_559, %add3A_560 : i32
      %mul3A_562 = arith.constant 16 : i32
      %mul3A_563 = arith.muli %add3A_561, %mul3A_562 : i32
      %multiple_of3A_564 = tpu.assume_multiple %mul3A_563, 16 : i32
      %dma_wait3A_565 = arith.constant 2 : i32
      %dma_wait3A_566 = arith.constant 2 : i32
      %dma_wait3A_567 = arith.constant 0 : i32
      %dma_wait3A_568 = arith.constant 0 : i32
      %dma_wait3A_569 = tpu.memref_slice %arg6[%dma_wait3A_565, %dma_wait3A_567, %dma_wait3A_568] : memref<8x16x512xf32, #tpu.memory_space<vmem>> -> memref<1x16x512xf32, #tpu.memory_space<vmem>>
      %dma_wait3A_570 = tpu.memref_squeeze %dma_wait3A_569 : memref<1x16x512xf32, #tpu.memory_space<vmem>> -> memref<16x512xf32, #tpu.memory_space<vmem>>
      %dma_wait3A_571 = tpu.memref_slice %arg5[%multiple_of3A_564] : memref<2048xi32, #tpu.memory_space<vmem>> -> memref<16xi32, #tpu.memory_space<vmem>>
      %dma_wait3A_572 = arith.constant 0 : i32
      %dma_wait3A_573 = arith.constant 0 : i32
      %dma_wait3A_574 = tpu.memref_slice %arg2[%dma_wait3A_572, %dma_wait3A_573] : memref<32768x512xf32, #tpu.memory_space<hbm>> -> memref<32768x512xf32, #tpu.memory_space<hbm>>
      %dma_wait3A_575 = tpu.memref_slice %arg7[%dma_wait3A_566] : memref<8x!tpu.dma_semaphore, #tpu.memory_space<semaphore_mem>> -> memref<1x!tpu.dma_semaphore, #tpu.memory_space<semaphore_mem>>
      %dma_wait3A_576 = tpu.memref_squeeze %dma_wait3A_575 : memref<1x!tpu.dma_semaphore, #tpu.memory_space<semaphore_mem>> -> memref<!tpu.dma_semaphore, #tpu.memory_space<semaphore_mem>>
      tpu.wait_indirect_dma semaphore(%dma_wait3A_576 : memref<!tpu.dma_semaphore, #tpu.memory_space<semaphore_mem>>) src(%dma_wait3A_574 : memref<32768x512xf32, #tpu.memory_space<hbm>>) dst(%dma_wait3A_570 : memref<16x512xf32, #tpu.memory_space<vmem>>)
      %mul3A_577 = arith.constant 16 : i32
      %mul3A_578 = arith.muli %add3A_561, %mul3A_577 : i32
      %multiple_of3A_579 = tpu.assume_multiple %mul3A_578, 16 : i32
      %add3A_580 = arith.addi %mul3A_2, %multiple_of3A_579 : i32
      %dma_start3A_581 = arith.constant 2 : i32
      %dma_start3A_582 = arith.constant 2 : i32
      %dma_start3A_583 = arith.constant 0 : i32
      %dma_start3A_584 = arith.constant 0 : i32
      %dma_start3A_585 = tpu.memref_slice %arg6[%dma_start3A_581, %dma_start3A_583, %dma_start3A_584] : memref<8x16x512xf32, #tpu.memory_space<vmem>> -> memref<1x16x512xf32, #tpu.memory_space<vmem>>
      %dma_start3A_586 = tpu.memref_squeeze %dma_start3A_585 : memref<1x16x512xf32, #tpu.memory_space<vmem>> -> memref<16x512xf32, #tpu.memory_space<vmem>>
      %dma_start3A_587 = arith.constant 0 : i32
      %dma_start3A_588 = tpu.memref_slice %arg4[%add3A_580, %dma_start3A_587] : memref<65536x512xf32, #tpu.memory_space<hbm>> -> memref<16x512xf32, #tpu.memory_space<hbm>>
      %dma_start3A_589 = tpu.memref_slice %arg8[%dma_start3A_582] : memref<8x!tpu.dma_semaphore, #tpu.memory_space<semaphore_mem>> -> memref<1x!tpu.dma_semaphore, #tpu.memory_space<semaphore_mem>>
      %dma_start3A_590 = tpu.memref_squeeze %dma_start3A_589 : memref<1x!tpu.dma_semaphore, #tpu.memory_space<semaphore_mem>> -> memref<!tpu.dma_semaphore, #tpu.memory_space<semaphore_mem>>
      %dma_start3A_591 = arith.constant 0 : i32
      %dma_start3A_592 = tpu.memref_slice %arg4[%add3A_580, %dma_start3A_591] : memref<65536x512xf32, #tpu.memory_space<hbm>> -> memref<16x512xf32, #tpu.memory_space<hbm>>
      %dma_start3A_593 = arith.constant 0 : i32
      %dma_start3A_594 = arith.constant 0 : i32
      %dma_start3A_595 = tpu.memref_slice %arg6[%dma_start3A_581, %dma_start3A_593, %dma_start3A_594] : memref<8x16x512xf32, #tpu.memory_space<vmem>> -> memref<1x16x512xf32, #tpu.memory_space<vmem>>
      %dma_start3A_596 = tpu.memref_squeeze %dma_start3A_595 : memref<1x16x512xf32, #tpu.memory_space<vmem>> -> memref<16x512xf32, #tpu.memory_space<vmem>>
      tpu.enqueue_dma source(%dma_start3A_596 : memref<16x512xf32, #tpu.memory_space<vmem>>) target(%dma_start3A_592 : memref<16x512xf32, #tpu.memory_space<hbm>>) target_semaphore(%dma_start3A_590 : memref<!tpu.dma_semaphore, #tpu.memory_space<semaphore_mem>>)
      %mul3A_597 = arith.constant 8 : i32
      %mul3A_598 = arith.muli %scan3A_158, %mul3A_597 : i32
      %add3A_599 = arith.constant 3 : i32
      %add3A_600 = arith.addi %mul3A_598, %add3A_599 : i32
      %mul3A_601 = arith.constant 16 : i32
      %mul3A_602 = arith.muli %add3A_600, %mul3A_601 : i32
      %multiple_of3A_603 = tpu.assume_multiple %mul3A_602, 16 : i32
      %dma_wait3A_604 = arith.constant 3 : i32
      %dma_wait3A_605 = arith.constant 3 : i32
      %dma_wait3A_606 = arith.constant 0 : i32
      %dma_wait3A_607 = arith.constant 0 : i32
      %dma_wait3A_608 = tpu.memref_slice %arg6[%dma_wait3A_604, %dma_wait3A_606, %dma_wait3A_607] : memref<8x16x512xf32, #tpu.memory_space<vmem>> -> memref<1x16x512xf32, #tpu.memory_space<vmem>>
      %dma_wait3A_609 = tpu.memref_squeeze %dma_wait3A_608 : memref<1x16x512xf32, #tpu.memory_space<vmem>> -> memref<16x512xf32, #tpu.memory_space<vmem>>
      %dma_wait3A_610 = tpu.memref_slice %arg5[%multiple_of3A_603] : memref<2048xi32, #tpu.memory_space<vmem>> -> memref<16xi32, #tpu.memory_space<vmem>>
      %dma_wait3A_611 = arith.constant 0 : i32
      %dma_wait3A_612 = arith.constant 0 : i32
      %dma_wait3A_613 = tpu.memref_slice %arg2[%dma_wait3A_611, %dma_wait3A_612] : memref<32768x512xf32, #tpu.memory_space<hbm>> -> memref<32768x512xf32, #tpu.memory_space<hbm>>
      %dma_wait3A_614 = tpu.memref_slice %arg7[%dma_wait3A_605] : memref<8x!tpu.dma_semaphore, #tpu.memory_space<semaphore_mem>> -> memref<1x!tpu.dma_semaphore, #tpu.memory_space<semaphore_mem>>
      %dma_wait3A_615 = tpu.memref_squeeze %dma_wait3A_614 : memref<1x!tpu.dma_semaphore, #tpu.memory_space<semaphore_mem>> -> memref<!tpu.dma_semaphore, #tpu.memory_space<semaphore_mem>>
      tpu.wait_indirect_dma semaphore(%dma_wait3A_615 : memref<!tpu.dma_semaphore, #tpu.memory_space<semaphore_mem>>) src(%dma_wait3A_613 : memref<32768x512xf32, #tpu.memory_space<hbm>>) dst(%dma_wait3A_609 : memref<16x512xf32, #tpu.memory_space<vmem>>)
      %mul3A_616 = arith.constant 16 : i32
      %mul3A_617 = arith.muli %add3A_600, %mul3A_616 : i32
      %multiple_of3A_618 = tpu.assume_multiple %mul3A_617, 16 : i32
      %add3A_619 = arith.addi %mul3A_2, %multiple_of3A_618 : i32
      %dma_start3A_620 = arith.constant 3 : i32
      %dma_start3A_621 = arith.constant 3 : i32
      %dma_start3A_622 = arith.constant 0 : i32
      %dma_start3A_623 = arith.constant 0 : i32
      %dma_start3A_624 = tpu.memref_slice %arg6[%dma_start3A_620, %dma_start3A_622, %dma_start3A_623] : memref<8x16x512xf32, #tpu.memory_space<vmem>> -> memref<1x16x512xf32, #tpu.memory_space<vmem>>
      %dma_start3A_625 = tpu.memref_squeeze %dma_start3A_624 : memref<1x16x512xf32, #tpu.memory_space<vmem>> -> memref<16x512xf32, #tpu.memory_space<vmem>>
      %dma_start3A_626 = arith.constant 0 : i32
      %dma_start3A_627 = tpu.memref_slice %arg4[%add3A_619, %dma_start3A_626] : memref<65536x512xf32, #tpu.memory_space<hbm>> -> memref<16x512xf32, #tpu.memory_space<hbm>>
      %dma_start3A_628 = tpu.memref_slice %arg8[%dma_start3A_621] : memref<8x!tpu.dma_semaphore, #tpu.memory_space<semaphore_mem>> -> memref<1x!tpu.dma_semaphore, #tpu.memory_space<semaphore_mem>>
      %dma_start3A_629 = tpu.memref_squeeze %dma_start3A_628 : memref<1x!tpu.dma_semaphore, #tpu.memory_space<semaphore_mem>> -> memref<!tpu.dma_semaphore, #tpu.memory_space<semaphore_mem>>
      %dma_start3A_630 = arith.constant 0 : i32
      %dma_start3A_631 = tpu.memref_slice %arg4[%add3A_619, %dma_start3A_630] : memref<65536x512xf32, #tpu.memory_space<hbm>> -> memref<16x512xf32, #tpu.memory_space<hbm>>
      %dma_start3A_632 = arith.constant 0 : i32
      %dma_start3A_633 = arith.constant 0 : i32
      %dma_start3A_634 = tpu.memref_slice %arg6[%dma_start3A_620, %dma_start3A_632, %dma_start3A_633] : memref<8x16x512xf32, #tpu.memory_space<vmem>> -> memref<1x16x512xf32, #tpu.memory_space<vmem>>
      %dma_start3A_635 = tpu.memref_squeeze %dma_start3A_634 : memref<1x16x512xf32, #tpu.memory_space<vmem>> -> memref<16x512xf32, #tpu.memory_space<vmem>>
      tpu.enqueue_dma source(%dma_start3A_635 : memref<16x512xf32, #tpu.memory_space<vmem>>) target(%dma_start3A_631 : memref<16x512xf32, #tpu.memory_space<hbm>>) target_semaphore(%dma_start3A_629 : memref<!tpu.dma_semaphore, #tpu.memory_space<semaphore_mem>>)
      %mul3A_636 = arith.constant 8 : i32
      %mul3A_637 = arith.muli %scan3A_158, %mul3A_636 : i32
      %add3A_638 = arith.constant 4 : i32
      %add3A_639 = arith.addi %mul3A_637, %add3A_638 : i32
      %mul3A_640 = arith.constant 16 : i32
      %mul3A_641 = arith.muli %add3A_639, %mul3A_640 : i32
      %multiple_of3A_642 = tpu.assume_multiple %mul3A_641, 16 : i32
      %dma_wait3A_643 = arith.constant 4 : i32
      %dma_wait3A_644 = arith.constant 4 : i32
      %dma_wait3A_645 = arith.constant 0 : i32
      %dma_wait3A_646 = arith.constant 0 : i32
      %dma_wait3A_647 = tpu.memref_slice %arg6[%dma_wait3A_643, %dma_wait3A_645, %dma_wait3A_646] : memref<8x16x512xf32, #tpu.memory_space<vmem>> -> memref<1x16x512xf32, #tpu.memory_space<vmem>>
      %dma_wait3A_648 = tpu.memref_squeeze %dma_wait3A_647 : memref<1x16x512xf32, #tpu.memory_space<vmem>> -> memref<16x512xf32, #tpu.memory_space<vmem>>
      %dma_wait3A_649 = tpu.memref_slice %arg5[%multiple_of3A_642] : memref<2048xi32, #tpu.memory_space<vmem>> -> memref<16xi32, #tpu.memory_space<vmem>>
      %dma_wait3A_650 = arith.constant 0 : i32
      %dma_wait3A_651 = arith.constant 0 : i32
      %dma_wait3A_652 = tpu.memref_slice %arg2[%dma_wait3A_650, %dma_wait3A_651] : memref<32768x512xf32, #tpu.memory_space<hbm>> -> memref<32768x512xf32, #tpu.memory_space<hbm>>
      %dma_wait3A_653 = tpu.memref_slice %arg7[%dma_wait3A_644] : memref<8x!tpu.dma_semaphore, #tpu.memory_space<semaphore_mem>> -> memref<1x!tpu.dma_semaphore, #tpu.memory_space<semaphore_mem>>
      %dma_wait3A_654 = tpu.memref_squeeze %dma_wait3A_653 : memref<1x!tpu.dma_semaphore, #tpu.memory_space<semaphore_mem>> -> memref<!tpu.dma_semaphore, #tpu.memory_space<semaphore_mem>>
      tpu.wait_indirect_dma semaphore(%dma_wait3A_654 : memref<!tpu.dma_semaphore, #tpu.memory_space<semaphore_mem>>) src(%dma_wait3A_652 : memref<32768x512xf32, #tpu.memory_space<hbm>>) dst(%dma_wait3A_648 : memref<16x512xf32, #tpu.memory_space<vmem>>)
      %mul3A_655 = arith.constant 16 : i32
      %mul3A_656 = arith.muli %add3A_639, %mul3A_655 : i32
      %multiple_of3A_657 = tpu.assume_multiple %mul3A_656, 16 : i32
      %add3A_658 = arith.addi %mul3A_2, %multiple_of3A_657 : i32
      %dma_start3A_659 = arith.constant 4 : i32
      %dma_start3A_660 = arith.constant 4 : i32
      %dma_start3A_661 = arith.constant 0 : i32
      %dma_start3A_662 = arith.constant 0 : i32
      %dma_start3A_663 = tpu.memref_slice %arg6[%dma_start3A_659, %dma_start3A_661, %dma_start3A_662] : memref<8x16x512xf32, #tpu.memory_space<vmem>> -> memref<1x16x512xf32, #tpu.memory_space<vmem>>
      %dma_start3A_664 = tpu.memref_squeeze %dma_start3A_663 : memref<1x16x512xf32, #tpu.memory_space<vmem>> -> memref<16x512xf32, #tpu.memory_space<vmem>>
      %dma_start3A_665 = arith.constant 0 : i32
      %dma_start3A_666 = tpu.memref_slice %arg4[%add3A_658, %dma_start3A_665] : memref<65536x512xf32, #tpu.memory_space<hbm>> -> memref<16x512xf32, #tpu.memory_space<hbm>>
      %dma_start3A_667 = tpu.memref_slice %arg8[%dma_start3A_660] : memref<8x!tpu.dma_semaphore, #tpu.memory_space<semaphore_mem>> -> memref<1x!tpu.dma_semaphore, #tpu.memory_space<semaphore_mem>>
      %dma_start3A_668 = tpu.memref_squeeze %dma_start3A_667 : memref<1x!tpu.dma_semaphore, #tpu.memory_space<semaphore_mem>> -> memref<!tpu.dma_semaphore, #tpu.memory_space<semaphore_mem>>
      %dma_start3A_669 = arith.constant 0 : i32
      %dma_start3A_670 = tpu.memref_slice %arg4[%add3A_658, %dma_start3A_669] : memref<65536x512xf32, #tpu.memory_space<hbm>> -> memref<16x512xf32, #tpu.memory_space<hbm>>
      %dma_start3A_671 = arith.constant 0 : i32
      %dma_start3A_672 = arith.constant 0 : i32
      %dma_start3A_673 = tpu.memref_slice %arg6[%dma_start3A_659, %dma_start3A_671, %dma_start3A_672] : memref<8x16x512xf32, #tpu.memory_space<vmem>> -> memref<1x16x512xf32, #tpu.memory_space<vmem>>
      %dma_start3A_674 = tpu.memref_squeeze %dma_start3A_673 : memref<1x16x512xf32, #tpu.memory_space<vmem>> -> memref<16x512xf32, #tpu.memory_space<vmem>>
      tpu.enqueue_dma source(%dma_start3A_674 : memref<16x512xf32, #tpu.memory_space<vmem>>) target(%dma_start3A_670 : memref<16x512xf32, #tpu.memory_space<hbm>>) target_semaphore(%dma_start3A_668 : memref<!tpu.dma_semaphore, #tpu.memory_space<semaphore_mem>>)
      %mul3A_675 = arith.constant 8 : i32
      %mul3A_676 = arith.muli %scan3A_158, %mul3A_675 : i32
      %add3A_677 = arith.constant 5 : i32
      %add3A_678 = arith.addi %mul3A_676, %add3A_677 : i32
      %mul3A_679 = arith.constant 16 : i32
      %mul3A_680 = arith.muli %add3A_678, %mul3A_679 : i32
      %multiple_of3A_681 = tpu.assume_multiple %mul3A_680, 16 : i32
      %dma_wait3A_682 = arith.constant 5 : i32
      %dma_wait3A_683 = arith.constant 5 : i32
      %dma_wait3A_684 = arith.constant 0 : i32
      %dma_wait3A_685 = arith.constant 0 : i32
      %dma_wait3A_686 = tpu.memref_slice %arg6[%dma_wait3A_682, %dma_wait3A_684, %dma_wait3A_685] : memref<8x16x512xf32, #tpu.memory_space<vmem>> -> memref<1x16x512xf32, #tpu.memory_space<vmem>>
      %dma_wait3A_687 = tpu.memref_squeeze %dma_wait3A_686 : memref<1x16x512xf32, #tpu.memory_space<vmem>> -> memref<16x512xf32, #tpu.memory_space<vmem>>
      %dma_wait3A_688 = tpu.memref_slice %arg5[%multiple_of3A_681] : memref<2048xi32, #tpu.memory_space<vmem>> -> memref<16xi32, #tpu.memory_space<vmem>>
      %dma_wait3A_689 = arith.constant 0 : i32
      %dma_wait3A_690 = arith.constant 0 : i32
      %dma_wait3A_691 = tpu.memref_slice %arg2[%dma_wait3A_689, %dma_wait3A_690] : memref<32768x512xf32, #tpu.memory_space<hbm>> -> memref<32768x512xf32, #tpu.memory_space<hbm>>
      %dma_wait3A_692 = tpu.memref_slice %arg7[%dma_wait3A_683] : memref<8x!tpu.dma_semaphore, #tpu.memory_space<semaphore_mem>> -> memref<1x!tpu.dma_semaphore, #tpu.memory_space<semaphore_mem>>
      %dma_wait3A_693 = tpu.memref_squeeze %dma_wait3A_692 : memref<1x!tpu.dma_semaphore, #tpu.memory_space<semaphore_mem>> -> memref<!tpu.dma_semaphore, #tpu.memory_space<semaphore_mem>>
      tpu.wait_indirect_dma semaphore(%dma_wait3A_693 : memref<!tpu.dma_semaphore, #tpu.memory_space<semaphore_mem>>) src(%dma_wait3A_691 : memref<32768x512xf32, #tpu.memory_space<hbm>>) dst(%dma_wait3A_687 : memref<16x512xf32, #tpu.memory_space<vmem>>)
      %mul3A_694 = arith.constant 16 : i32
      %mul3A_695 = arith.muli %add3A_678, %mul3A_694 : i32
      %multiple_of3A_696 = tpu.assume_multiple %mul3A_695, 16 : i32
      %add3A_697 = arith.addi %mul3A_2, %multiple_of3A_696 : i32
      %dma_start3A_698 = arith.constant 5 : i32
      %dma_start3A_699 = arith.constant 5 : i32
      %dma_start3A_700 = arith.constant 0 : i32
      %dma_start3A_701 = arith.constant 0 : i32
      %dma_start3A_702 = tpu.memref_slice %arg6[%dma_start3A_698, %dma_start3A_700, %dma_start3A_701] : memref<8x16x512xf32, #tpu.memory_space<vmem>> -> memref<1x16x512xf32, #tpu.memory_space<vmem>>
      %dma_start3A_703 = tpu.memref_squeeze %dma_start3A_702 : memref<1x16x512xf32, #tpu.memory_space<vmem>> -> memref<16x512xf32, #tpu.memory_space<vmem>>
      %dma_start3A_704 = arith.constant 0 : i32
      %dma_start3A_705 = tpu.memref_slice %arg4[%add3A_697, %dma_start3A_704] : memref<65536x512xf32, #tpu.memory_space<hbm>> -> memref<16x512xf32, #tpu.memory_space<hbm>>
      %dma_start3A_706 = tpu.memref_slice %arg8[%dma_start3A_699] : memref<8x!tpu.dma_semaphore, #tpu.memory_space<semaphore_mem>> -> memref<1x!tpu.dma_semaphore, #tpu.memory_space<semaphore_mem>>
      %dma_start3A_707 = tpu.memref_squeeze %dma_start3A_706 : memref<1x!tpu.dma_semaphore, #tpu.memory_space<semaphore_mem>> -> memref<!tpu.dma_semaphore, #tpu.memory_space<semaphore_mem>>
      %dma_start3A_708 = arith.constant 0 : i32
      %dma_start3A_709 = tpu.memref_slice %arg4[%add3A_697, %dma_start3A_708] : memref<65536x512xf32, #tpu.memory_space<hbm>> -> memref<16x512xf32, #tpu.memory_space<hbm>>
      %dma_start3A_710 = arith.constant 0 : i32
      %dma_start3A_711 = arith.constant 0 : i32
      %dma_start3A_712 = tpu.memref_slice %arg6[%dma_start3A_698, %dma_start3A_710, %dma_start3A_711] : memref<8x16x512xf32, #tpu.memory_space<vmem>> -> memref<1x16x512xf32, #tpu.memory_space<vmem>>
      %dma_start3A_713 = tpu.memref_squeeze %dma_start3A_712 : memref<1x16x512xf32, #tpu.memory_space<vmem>> -> memref<16x512xf32, #tpu.memory_space<vmem>>
      tpu.enqueue_dma source(%dma_start3A_713 : memref<16x512xf32, #tpu.memory_space<vmem>>) target(%dma_start3A_709 : memref<16x512xf32, #tpu.memory_space<hbm>>) target_semaphore(%dma_start3A_707 : memref<!tpu.dma_semaphore, #tpu.memory_space<semaphore_mem>>)
      %mul3A_714 = arith.constant 8 : i32
      %mul3A_715 = arith.muli %scan3A_158, %mul3A_714 : i32
      %add3A_716 = arith.constant 6 : i32
      %add3A_717 = arith.addi %mul3A_715, %add3A_716 : i32
      %mul3A_718 = arith.constant 16 : i32
      %mul3A_719 = arith.muli %add3A_717, %mul3A_718 : i32
      %multiple_of3A_720 = tpu.assume_multiple %mul3A_719, 16 : i32
      %dma_wait3A_721 = arith.constant 6 : i32
      %dma_wait3A_722 = arith.constant 6 : i32
      %dma_wait3A_723 = arith.constant 0 : i32
      %dma_wait3A_724 = arith.constant 0 : i32
      %dma_wait3A_725 = tpu.memref_slice %arg6[%dma_wait3A_721, %dma_wait3A_723, %dma_wait3A_724] : memref<8x16x512xf32, #tpu.memory_space<vmem>> -> memref<1x16x512xf32, #tpu.memory_space<vmem>>
      %dma_wait3A_726 = tpu.memref_squeeze %dma_wait3A_725 : memref<1x16x512xf32, #tpu.memory_space<vmem>> -> memref<16x512xf32, #tpu.memory_space<vmem>>
      %dma_wait3A_727 = tpu.memref_slice %arg5[%multiple_of3A_720] : memref<2048xi32, #tpu.memory_space<vmem>> -> memref<16xi32, #tpu.memory_space<vmem>>
      %dma_wait3A_728 = arith.constant 0 : i32
      %dma_wait3A_729 = arith.constant 0 : i32
      %dma_wait3A_730 = tpu.memref_slice %arg2[%dma_wait3A_728, %dma_wait3A_729] : memref<32768x512xf32, #tpu.memory_space<hbm>> -> memref<32768x512xf32, #tpu.memory_space<hbm>>
      %dma_wait3A_731 = tpu.memref_slice %arg7[%dma_wait3A_722] : memref<8x!tpu.dma_semaphore, #tpu.memory_space<semaphore_mem>> -> memref<1x!tpu.dma_semaphore, #tpu.memory_space<semaphore_mem>>
      %dma_wait3A_732 = tpu.memref_squeeze %dma_wait3A_731 : memref<1x!tpu.dma_semaphore, #tpu.memory_space<semaphore_mem>> -> memref<!tpu.dma_semaphore, #tpu.memory_space<semaphore_mem>>
      tpu.wait_indirect_dma semaphore(%dma_wait3A_732 : memref<!tpu.dma_semaphore, #tpu.memory_space<semaphore_mem>>) src(%dma_wait3A_730 : memref<32768x512xf32, #tpu.memory_space<hbm>>) dst(%dma_wait3A_726 : memref<16x512xf32, #tpu.memory_space<vmem>>)
      %mul3A_733 = arith.constant 16 : i32
      %mul3A_734 = arith.muli %add3A_717, %mul3A_733 : i32
      %multiple_of3A_735 = tpu.assume_multiple %mul3A_734, 16 : i32
      %add3A_736 = arith.addi %mul3A_2, %multiple_of3A_735 : i32
      %dma_start3A_737 = arith.constant 6 : i32
      %dma_start3A_738 = arith.constant 6 : i32
      %dma_start3A_739 = arith.constant 0 : i32
      %dma_start3A_740 = arith.constant 0 : i32
      %dma_start3A_741 = tpu.memref_slice %arg6[%dma_start3A_737, %dma_start3A_739, %dma_start3A_740] : memref<8x16x512xf32, #tpu.memory_space<vmem>> -> memref<1x16x512xf32, #tpu.memory_space<vmem>>
      %dma_start3A_742 = tpu.memref_squeeze %dma_start3A_741 : memref<1x16x512xf32, #tpu.memory_space<vmem>> -> memref<16x512xf32, #tpu.memory_space<vmem>>
      %dma_start3A_743 = arith.constant 0 : i32
      %dma_start3A_744 = tpu.memref_slice %arg4[%add3A_736, %dma_start3A_743] : memref<65536x512xf32, #tpu.memory_space<hbm>> -> memref<16x512xf32, #tpu.memory_space<hbm>>
      %dma_start3A_745 = tpu.memref_slice %arg8[%dma_start3A_738] : memref<8x!tpu.dma_semaphore, #tpu.memory_space<semaphore_mem>> -> memref<1x!tpu.dma_semaphore, #tpu.memory_space<semaphore_mem>>
      %dma_start3A_746 = tpu.memref_squeeze %dma_start3A_745 : memref<1x!tpu.dma_semaphore, #tpu.memory_space<semaphore_mem>> -> memref<!tpu.dma_semaphore, #tpu.memory_space<semaphore_mem>>
      %dma_start3A_747 = arith.constant 0 : i32
      %dma_start3A_748 = tpu.memref_slice %arg4[%add3A_736, %dma_start3A_747] : memref<65536x512xf32, #tpu.memory_space<hbm>> -> memref<16x512xf32, #tpu.memory_space<hbm>>
      %dma_start3A_749 = arith.constant 0 : i32
      %dma_start3A_750 = arith.constant 0 : i32
      %dma_start3A_751 = tpu.memref_slice %arg6[%dma_start3A_737, %dma_start3A_749, %dma_start3A_750] : memref<8x16x512xf32, #tpu.memory_space<vmem>> -> memref<1x16x512xf32, #tpu.memory_space<vmem>>
      %dma_start3A_752 = tpu.memref_squeeze %dma_start3A_751 : memref<1x16x512xf32, #tpu.memory_space<vmem>> -> memref<16x512xf32, #tpu.memory_space<vmem>>
      tpu.enqueue_dma source(%dma_start3A_752 : memref<16x512xf32, #tpu.memory_space<vmem>>) target(%dma_start3A_748 : memref<16x512xf32, #tpu.memory_space<hbm>>) target_semaphore(%dma_start3A_746 : memref<!tpu.dma_semaphore, #tpu.memory_space<semaphore_mem>>)
      %mul3A_753 = arith.constant 8 : i32
      %mul3A_754 = arith.muli %scan3A_158, %mul3A_753 : i32
      %add3A_755 = arith.constant 7 : i32
      %add3A_756 = arith.addi %mul3A_754, %add3A_755 : i32
      %mul3A_757 = arith.constant 16 : i32
      %mul3A_758 = arith.muli %add3A_756, %mul3A_757 : i32
      %multiple_of3A_759 = tpu.assume_multiple %mul3A_758, 16 : i32
      %dma_wait3A_760 = arith.constant 7 : i32
      %dma_wait3A_761 = arith.constant 7 : i32
      %dma_wait3A_762 = arith.constant 0 : i32
      %dma_wait3A_763 = arith.constant 0 : i32
      %dma_wait3A_764 = tpu.memref_slice %arg6[%dma_wait3A_760, %dma_wait3A_762, %dma_wait3A_763] : memref<8x16x512xf32, #tpu.memory_space<vmem>> -> memref<1x16x512xf32, #tpu.memory_space<vmem>>
      %dma_wait3A_765 = tpu.memref_squeeze %dma_wait3A_764 : memref<1x16x512xf32, #tpu.memory_space<vmem>> -> memref<16x512xf32, #tpu.memory_space<vmem>>
      %dma_wait3A_766 = tpu.memref_slice %arg5[%multiple_of3A_759] : memref<2048xi32, #tpu.memory_space<vmem>> -> memref<16xi32, #tpu.memory_space<vmem>>
      %dma_wait3A_767 = arith.constant 0 : i32
      %dma_wait3A_768 = arith.constant 0 : i32
      %dma_wait3A_769 = tpu.memref_slice %arg2[%dma_wait3A_767, %dma_wait3A_768] : memref<32768x512xf32, #tpu.memory_space<hbm>> -> memref<32768x512xf32, #tpu.memory_space<hbm>>
      %dma_wait3A_770 = tpu.memref_slice %arg7[%dma_wait3A_761] : memref<8x!tpu.dma_semaphore, #tpu.memory_space<semaphore_mem>> -> memref<1x!tpu.dma_semaphore, #tpu.memory_space<semaphore_mem>>
      %dma_wait3A_771 = tpu.memref_squeeze %dma_wait3A_770 : memref<1x!tpu.dma_semaphore, #tpu.memory_space<semaphore_mem>> -> memref<!tpu.dma_semaphore, #tpu.memory_space<semaphore_mem>>
      tpu.wait_indirect_dma semaphore(%dma_wait3A_771 : memref<!tpu.dma_semaphore, #tpu.memory_space<semaphore_mem>>) src(%dma_wait3A_769 : memref<32768x512xf32, #tpu.memory_space<hbm>>) dst(%dma_wait3A_765 : memref<16x512xf32, #tpu.memory_space<vmem>>)
      %mul3A_772 = arith.constant 16 : i32
      %mul3A_773 = arith.muli %add3A_756, %mul3A_772 : i32
      %multiple_of3A_774 = tpu.assume_multiple %mul3A_773, 16 : i32
      %add3A_775 = arith.addi %mul3A_2, %multiple_of3A_774 : i32
      %dma_start3A_776 = arith.constant 7 : i32
      %dma_start3A_777 = arith.constant 7 : i32
      %dma_start3A_778 = arith.constant 0 : i32
      %dma_start3A_779 = arith.constant 0 : i32
      %dma_start3A_780 = tpu.memref_slice %arg6[%dma_start3A_776, %dma_start3A_778, %dma_start3A_779] : memref<8x16x512xf32, #tpu.memory_space<vmem>> -> memref<1x16x512xf32, #tpu.memory_space<vmem>>
      %dma_start3A_781 = tpu.memref_squeeze %dma_start3A_780 : memref<1x16x512xf32, #tpu.memory_space<vmem>> -> memref<16x512xf32, #tpu.memory_space<vmem>>
      %dma_start3A_782 = arith.constant 0 : i32
      %dma_start3A_783 = tpu.memref_slice %arg4[%add3A_775, %dma_start3A_782] : memref<65536x512xf32, #tpu.memory_space<hbm>> -> memref<16x512xf32, #tpu.memory_space<hbm>>
      %dma_start3A_784 = tpu.memref_slice %arg8[%dma_start3A_777] : memref<8x!tpu.dma_semaphore, #tpu.memory_space<semaphore_mem>> -> memref<1x!tpu.dma_semaphore, #tpu.memory_space<semaphore_mem>>
      %dma_start3A_785 = tpu.memref_squeeze %dma_start3A_784 : memref<1x!tpu.dma_semaphore, #tpu.memory_space<semaphore_mem>> -> memref<!tpu.dma_semaphore, #tpu.memory_space<semaphore_mem>>
      %dma_start3A_786 = arith.constant 0 : i32
      %dma_start3A_787 = tpu.memref_slice %arg4[%add3A_775, %dma_start3A_786] : memref<65536x512xf32, #tpu.memory_space<hbm>> -> memref<16x512xf32, #tpu.memory_space<hbm>>
      %dma_start3A_788 = arith.constant 0 : i32
      %dma_start3A_789 = arith.constant 0 : i32
      %dma_start3A_790 = tpu.memref_slice %arg6[%dma_start3A_776, %dma_start3A_788, %dma_start3A_789] : memref<8x16x512xf32, #tpu.memory_space<vmem>> -> memref<1x16x512xf32, #tpu.memory_space<vmem>>
      %dma_start3A_791 = tpu.memref_squeeze %dma_start3A_790 : memref<1x16x512xf32, #tpu.memory_space<vmem>> -> memref<16x512xf32, #tpu.memory_space<vmem>>
      tpu.enqueue_dma source(%dma_start3A_791 : memref<16x512xf32, #tpu.memory_space<vmem>>) target(%dma_start3A_787 : memref<16x512xf32, #tpu.memory_space<hbm>>) target_semaphore(%dma_start3A_785 : memref<!tpu.dma_semaphore, #tpu.memory_space<semaphore_mem>>)
    }
    %scan3A_7 = arith.constant 16 : i32
    %multiple_of3A = arith.constant 1920 : i32
    %multiple_of3A_8 = tpu.assume_multiple %multiple_of3A, 16 : i32
    %add3A_9 = arith.addi %mul3A_2, %multiple_of3A_8 : i32
    %dma_wait3A = arith.constant 0 : i32
    %dma_wait3A_10 = arith.constant 0 : i32
    %dma_wait3A_11 = arith.constant 0 : i32
    %dma_wait3A_12 = arith.constant 0 : i32
    %dma_wait3A_13 = tpu.memref_slice %arg6[%dma_wait3A, %dma_wait3A_11, %dma_wait3A_12] : memref<8x16x512xf32, #tpu.memory_space<vmem>> -> memref<1x16x512xf32, #tpu.memory_space<vmem>>
    %dma_wait3A_14 = tpu.memref_squeeze %dma_wait3A_13 : memref<1x16x512xf32, #tpu.memory_space<vmem>> -> memref<16x512xf32, #tpu.memory_space<vmem>>
    %dma_wait3A_15 = arith.constant 0 : i32
    %dma_wait3A_16 = tpu.memref_slice %arg4[%add3A_9, %dma_wait3A_15] : memref<65536x512xf32, #tpu.memory_space<hbm>> -> memref<16x512xf32, #tpu.memory_space<hbm>>
    %dma_wait3A_17 = tpu.memref_slice %arg8[%dma_wait3A_10] : memref<8x!tpu.dma_semaphore, #tpu.memory_space<semaphore_mem>> -> memref<1x!tpu.dma_semaphore, #tpu.memory_space<semaphore_mem>>
    %dma_wait3A_18 = tpu.memref_squeeze %dma_wait3A_17 : memref<1x!tpu.dma_semaphore, #tpu.memory_space<semaphore_mem>> -> memref<!tpu.dma_semaphore, #tpu.memory_space<semaphore_mem>>
    %dma_wait3A_19 = arith.constant 0 : i32
    %dma_wait3A_20 = tpu.memref_slice %arg4[%add3A_9, %dma_wait3A_19] : memref<65536x512xf32, #tpu.memory_space<hbm>> -> memref<16x512xf32, #tpu.memory_space<hbm>>
    %dma_wait3A_21 = arith.constant 0 : i32
    %dma_wait3A_22 = arith.constant 0 : i32
    %dma_wait3A_23 = tpu.memref_slice %arg6[%dma_wait3A, %dma_wait3A_21, %dma_wait3A_22] : memref<8x16x512xf32, #tpu.memory_space<vmem>> -> memref<1x16x512xf32, #tpu.memory_space<vmem>>
    %dma_wait3A_24 = tpu.memref_squeeze %dma_wait3A_23 : memref<1x16x512xf32, #tpu.memory_space<vmem>> -> memref<16x512xf32, #tpu.memory_space<vmem>>
    tpu.wait_dma2 semaphore(%dma_wait3A_18 : memref<!tpu.dma_semaphore, #tpu.memory_space<semaphore_mem>>) src(%dma_wait3A_24 : memref<16x512xf32, #tpu.memory_space<vmem>>) dst(%dma_wait3A_20 : memref<16x512xf32, #tpu.memory_space<hbm>>)
    %multiple_of3A_25 = arith.constant 1936 : i32
    %multiple_of3A_26 = tpu.assume_multiple %multiple_of3A_25, 16 : i32
    %add3A_27 = arith.addi %mul3A_2, %multiple_of3A_26 : i32
    %dma_wait3A_28 = arith.constant 1 : i32
    %dma_wait3A_29 = arith.constant 1 : i32
    %dma_wait3A_30 = arith.constant 0 : i32
    %dma_wait3A_31 = arith.constant 0 : i32
    %dma_wait3A_32 = tpu.memref_slice %arg6[%dma_wait3A_28, %dma_wait3A_30, %dma_wait3A_31] : memref<8x16x512xf32, #tpu.memory_space<vmem>> -> memref<1x16x512xf32, #tpu.memory_space<vmem>>
    %dma_wait3A_33 = tpu.memref_squeeze %dma_wait3A_32 : memref<1x16x512xf32, #tpu.memory_space<vmem>> -> memref<16x512xf32, #tpu.memory_space<vmem>>
    %dma_wait3A_34 = arith.constant 0 : i32
    %dma_wait3A_35 = tpu.memref_slice %arg4[%add3A_27, %dma_wait3A_34] : memref<65536x512xf32, #tpu.memory_space<hbm>> -> memref<16x512xf32, #tpu.memory_space<hbm>>
    %dma_wait3A_36 = tpu.memref_slice %arg8[%dma_wait3A_29] : memref<8x!tpu.dma_semaphore, #tpu.memory_space<semaphore_mem>> -> memref<1x!tpu.dma_semaphore, #tpu.memory_space<semaphore_mem>>
    %dma_wait3A_37 = tpu.memref_squeeze %dma_wait3A_36 : memref<1x!tpu.dma_semaphore, #tpu.memory_space<semaphore_mem>> -> memref<!tpu.dma_semaphore, #tpu.memory_space<semaphore_mem>>
    %dma_wait3A_38 = arith.constant 0 : i32
    %dma_wait3A_39 = tpu.memref_slice %arg4[%add3A_27, %dma_wait3A_38] : memref<65536x512xf32, #tpu.memory_space<hbm>> -> memref<16x512xf32, #tpu.memory_space<hbm>>
    %dma_wait3A_40 = arith.constant 0 : i32
    %dma_wait3A_41 = arith.constant 0 : i32
    %dma_wait3A_42 = tpu.memref_slice %arg6[%dma_wait3A_28, %dma_wait3A_40, %dma_wait3A_41] : memref<8x16x512xf32, #tpu.memory_space<vmem>> -> memref<1x16x512xf32, #tpu.memory_space<vmem>>
    %dma_wait3A_43 = tpu.memref_squeeze %dma_wait3A_42 : memref<1x16x512xf32, #tpu.memory_space<vmem>> -> memref<16x512xf32, #tpu.memory_space<vmem>>
    tpu.wait_dma2 semaphore(%dma_wait3A_37 : memref<!tpu.dma_semaphore, #tpu.memory_space<semaphore_mem>>) src(%dma_wait3A_43 : memref<16x512xf32, #tpu.memory_space<vmem>>) dst(%dma_wait3A_39 : memref<16x512xf32, #tpu.memory_space<hbm>>)
    %multiple_of3A_44 = arith.constant 1952 : i32
    %multiple_of3A_45 = tpu.assume_multiple %multiple_of3A_44, 16 : i32
    %add3A_46 = arith.addi %mul3A_2, %multiple_of3A_45 : i32
    %dma_wait3A_47 = arith.constant 2 : i32
    %dma_wait3A_48 = arith.constant 2 : i32
    %dma_wait3A_49 = arith.constant 0 : i32
    %dma_wait3A_50 = arith.constant 0 : i32
    %dma_wait3A_51 = tpu.memref_slice %arg6[%dma_wait3A_47, %dma_wait3A_49, %dma_wait3A_50] : memref<8x16x512xf32, #tpu.memory_space<vmem>> -> memref<1x16x512xf32, #tpu.memory_space<vmem>>
    %dma_wait3A_52 = tpu.memref_squeeze %dma_wait3A_51 : memref<1x16x512xf32, #tpu.memory_space<vmem>> -> memref<16x512xf32, #tpu.memory_space<vmem>>
    %dma_wait3A_53 = arith.constant 0 : i32
    %dma_wait3A_54 = tpu.memref_slice %arg4[%add3A_46, %dma_wait3A_53] : memref<65536x512xf32, #tpu.memory_space<hbm>> -> memref<16x512xf32, #tpu.memory_space<hbm>>
    %dma_wait3A_55 = tpu.memref_slice %arg8[%dma_wait3A_48] : memref<8x!tpu.dma_semaphore, #tpu.memory_space<semaphore_mem>> -> memref<1x!tpu.dma_semaphore, #tpu.memory_space<semaphore_mem>>
    %dma_wait3A_56 = tpu.memref_squeeze %dma_wait3A_55 : memref<1x!tpu.dma_semaphore, #tpu.memory_space<semaphore_mem>> -> memref<!tpu.dma_semaphore, #tpu.memory_space<semaphore_mem>>
    %dma_wait3A_57 = arith.constant 0 : i32
    %dma_wait3A_58 = tpu.memref_slice %arg4[%add3A_46, %dma_wait3A_57] : memref<65536x512xf32, #tpu.memory_space<hbm>> -> memref<16x512xf32, #tpu.memory_space<hbm>>
    %dma_wait3A_59 = arith.constant 0 : i32
    %dma_wait3A_60 = arith.constant 0 : i32
    %dma_wait3A_61 = tpu.memref_slice %arg6[%dma_wait3A_47, %dma_wait3A_59, %dma_wait3A_60] : memref<8x16x512xf32, #tpu.memory_space<vmem>> -> memref<1x16x512xf32, #tpu.memory_space<vmem>>
    %dma_wait3A_62 = tpu.memref_squeeze %dma_wait3A_61 : memref<1x16x512xf32, #tpu.memory_space<vmem>> -> memref<16x512xf32, #tpu.memory_space<vmem>>
    tpu.wait_dma2 semaphore(%dma_wait3A_56 : memref<!tpu.dma_semaphore, #tpu.memory_space<semaphore_mem>>) src(%dma_wait3A_62 : memref<16x512xf32, #tpu.memory_space<vmem>>) dst(%dma_wait3A_58 : memref<16x512xf32, #tpu.memory_space<hbm>>)
    %multiple_of3A_63 = arith.constant 1968 : i32
    %multiple_of3A_64 = tpu.assume_multiple %multiple_of3A_63, 16 : i32
    %add3A_65 = arith.addi %mul3A_2, %multiple_of3A_64 : i32
    %dma_wait3A_66 = arith.constant 3 : i32
    %dma_wait3A_67 = arith.constant 3 : i32
    %dma_wait3A_68 = arith.constant 0 : i32
    %dma_wait3A_69 = arith.constant 0 : i32
    %dma_wait3A_70 = tpu.memref_slice %arg6[%dma_wait3A_66, %dma_wait3A_68, %dma_wait3A_69] : memref<8x16x512xf32, #tpu.memory_space<vmem>> -> memref<1x16x512xf32, #tpu.memory_space<vmem>>
    %dma_wait3A_71 = tpu.memref_squeeze %dma_wait3A_70 : memref<1x16x512xf32, #tpu.memory_space<vmem>> -> memref<16x512xf32, #tpu.memory_space<vmem>>
    %dma_wait3A_72 = arith.constant 0 : i32
    %dma_wait3A_73 = tpu.memref_slice %arg4[%add3A_65, %dma_wait3A_72] : memref<65536x512xf32, #tpu.memory_space<hbm>> -> memref<16x512xf32, #tpu.memory_space<hbm>>
    %dma_wait3A_74 = tpu.memref_slice %arg8[%dma_wait3A_67] : memref<8x!tpu.dma_semaphore, #tpu.memory_space<semaphore_mem>> -> memref<1x!tpu.dma_semaphore, #tpu.memory_space<semaphore_mem>>
    %dma_wait3A_75 = tpu.memref_squeeze %dma_wait3A_74 : memref<1x!tpu.dma_semaphore, #tpu.memory_space<semaphore_mem>> -> memref<!tpu.dma_semaphore, #tpu.memory_space<semaphore_mem>>
    %dma_wait3A_76 = arith.constant 0 : i32
    %dma_wait3A_77 = tpu.memref_slice %arg4[%add3A_65, %dma_wait3A_76] : memref<65536x512xf32, #tpu.memory_space<hbm>> -> memref<16x512xf32, #tpu.memory_space<hbm>>
    %dma_wait3A_78 = arith.constant 0 : i32
    %dma_wait3A_79 = arith.constant 0 : i32
    %dma_wait3A_80 = tpu.memref_slice %arg6[%dma_wait3A_66, %dma_wait3A_78, %dma_wait3A_79] : memref<8x16x512xf32, #tpu.memory_space<vmem>> -> memref<1x16x512xf32, #tpu.memory_space<vmem>>
    %dma_wait3A_81 = tpu.memref_squeeze %dma_wait3A_80 : memref<1x16x512xf32, #tpu.memory_space<vmem>> -> memref<16x512xf32, #tpu.memory_space<vmem>>
    tpu.wait_dma2 semaphore(%dma_wait3A_75 : memref<!tpu.dma_semaphore, #tpu.memory_space<semaphore_mem>>) src(%dma_wait3A_81 : memref<16x512xf32, #tpu.memory_space<vmem>>) dst(%dma_wait3A_77 : memref<16x512xf32, #tpu.memory_space<hbm>>)
    %multiple_of3A_82 = arith.constant 1984 : i32
    %multiple_of3A_83 = tpu.assume_multiple %multiple_of3A_82, 16 : i32
    %add3A_84 = arith.addi %mul3A_2, %multiple_of3A_83 : i32
    %dma_wait3A_85 = arith.constant 4 : i32
    %dma_wait3A_86 = arith.constant 4 : i32
    %dma_wait3A_87 = arith.constant 0 : i32
    %dma_wait3A_88 = arith.constant 0 : i32
    %dma_wait3A_89 = tpu.memref_slice %arg6[%dma_wait3A_85, %dma_wait3A_87, %dma_wait3A_88] : memref<8x16x512xf32, #tpu.memory_space<vmem>> -> memref<1x16x512xf32, #tpu.memory_space<vmem>>
    %dma_wait3A_90 = tpu.memref_squeeze %dma_wait3A_89 : memref<1x16x512xf32, #tpu.memory_space<vmem>> -> memref<16x512xf32, #tpu.memory_space<vmem>>
    %dma_wait3A_91 = arith.constant 0 : i32
    %dma_wait3A_92 = tpu.memref_slice %arg4[%add3A_84, %dma_wait3A_91] : memref<65536x512xf32, #tpu.memory_space<hbm>> -> memref<16x512xf32, #tpu.memory_space<hbm>>
    %dma_wait3A_93 = tpu.memref_slice %arg8[%dma_wait3A_86] : memref<8x!tpu.dma_semaphore, #tpu.memory_space<semaphore_mem>> -> memref<1x!tpu.dma_semaphore, #tpu.memory_space<semaphore_mem>>
    %dma_wait3A_94 = tpu.memref_squeeze %dma_wait3A_93 : memref<1x!tpu.dma_semaphore, #tpu.memory_space<semaphore_mem>> -> memref<!tpu.dma_semaphore, #tpu.memory_space<semaphore_mem>>
    %dma_wait3A_95 = arith.constant 0 : i32
    %dma_wait3A_96 = tpu.memref_slice %arg4[%add3A_84, %dma_wait3A_95] : memref<65536x512xf32, #tpu.memory_space<hbm>> -> memref<16x512xf32, #tpu.memory_space<hbm>>
    %dma_wait3A_97 = arith.constant 0 : i32
    %dma_wait3A_98 = arith.constant 0 : i32
    %dma_wait3A_99 = tpu.memref_slice %arg6[%dma_wait3A_85, %dma_wait3A_97, %dma_wait3A_98] : memref<8x16x512xf32, #tpu.memory_space<vmem>> -> memref<1x16x512xf32, #tpu.memory_space<vmem>>
    %dma_wait3A_100 = tpu.memref_squeeze %dma_wait3A_99 : memref<1x16x512xf32, #tpu.memory_space<vmem>> -> memref<16x512xf32, #tpu.memory_space<vmem>>
    tpu.wait_dma2 semaphore(%dma_wait3A_94 : memref<!tpu.dma_semaphore, #tpu.memory_space<semaphore_mem>>) src(%dma_wait3A_100 : memref<16x512xf32, #tpu.memory_space<vmem>>) dst(%dma_wait3A_96 : memref<16x512xf32, #tpu.memory_space<hbm>>)
    %multiple_of3A_101 = arith.constant 2000 : i32
    %multiple_of3A_102 = tpu.assume_multiple %multiple_of3A_101, 16 : i32
    %add3A_103 = arith.addi %mul3A_2, %multiple_of3A_102 : i32
    %dma_wait3A_104 = arith.constant 5 : i32
    %dma_wait3A_105 = arith.constant 5 : i32
    %dma_wait3A_106 = arith.constant 0 : i32
    %dma_wait3A_107 = arith.constant 0 : i32
    %dma_wait3A_108 = tpu.memref_slice %arg6[%dma_wait3A_104, %dma_wait3A_106, %dma_wait3A_107] : memref<8x16x512xf32, #tpu.memory_space<vmem>> -> memref<1x16x512xf32, #tpu.memory_space<vmem>>
    %dma_wait3A_109 = tpu.memref_squeeze %dma_wait3A_108 : memref<1x16x512xf32, #tpu.memory_space<vmem>> -> memref<16x512xf32, #tpu.memory_space<vmem>>
    %dma_wait3A_110 = arith.constant 0 : i32
    %dma_wait3A_111 = tpu.memref_slice %arg4[%add3A_103, %dma_wait3A_110] : memref<65536x512xf32, #tpu.memory_space<hbm>> -> memref<16x512xf32, #tpu.memory_space<hbm>>
    %dma_wait3A_112 = tpu.memref_slice %arg8[%dma_wait3A_105] : memref<8x!tpu.dma_semaphore, #tpu.memory_space<semaphore_mem>> -> memref<1x!tpu.dma_semaphore, #tpu.memory_space<semaphore_mem>>
    %dma_wait3A_113 = tpu.memref_squeeze %dma_wait3A_112 : memref<1x!tpu.dma_semaphore, #tpu.memory_space<semaphore_mem>> -> memref<!tpu.dma_semaphore, #tpu.memory_space<semaphore_mem>>
    %dma_wait3A_114 = arith.constant 0 : i32
    %dma_wait3A_115 = tpu.memref_slice %arg4[%add3A_103, %dma_wait3A_114] : memref<65536x512xf32, #tpu.memory_space<hbm>> -> memref<16x512xf32, #tpu.memory_space<hbm>>
    %dma_wait3A_116 = arith.constant 0 : i32
    %dma_wait3A_117 = arith.constant 0 : i32
    %dma_wait3A_118 = tpu.memref_slice %arg6[%dma_wait3A_104, %dma_wait3A_116, %dma_wait3A_117] : memref<8x16x512xf32, #tpu.memory_space<vmem>> -> memref<1x16x512xf32, #tpu.memory_space<vmem>>
    %dma_wait3A_119 = tpu.memref_squeeze %dma_wait3A_118 : memref<1x16x512xf32, #tpu.memory_space<vmem>> -> memref<16x512xf32, #tpu.memory_space<vmem>>
    tpu.wait_dma2 semaphore(%dma_wait3A_113 : memref<!tpu.dma_semaphore, #tpu.memory_space<semaphore_mem>>) src(%dma_wait3A_119 : memref<16x512xf32, #tpu.memory_space<vmem>>) dst(%dma_wait3A_115 : memref<16x512xf32, #tpu.memory_space<hbm>>)
    %multiple_of3A_120 = arith.constant 2016 : i32
    %multiple_of3A_121 = tpu.assume_multiple %multiple_of3A_120, 16 : i32
    %add3A_122 = arith.addi %mul3A_2, %multiple_of3A_121 : i32
    %dma_wait3A_123 = arith.constant 6 : i32
    %dma_wait3A_124 = arith.constant 6 : i32
    %dma_wait3A_125 = arith.constant 0 : i32
    %dma_wait3A_126 = arith.constant 0 : i32
    %dma_wait3A_127 = tpu.memref_slice %arg6[%dma_wait3A_123, %dma_wait3A_125, %dma_wait3A_126] : memref<8x16x512xf32, #tpu.memory_space<vmem>> -> memref<1x16x512xf32, #tpu.memory_space<vmem>>
    %dma_wait3A_128 = tpu.memref_squeeze %dma_wait3A_127 : memref<1x16x512xf32, #tpu.memory_space<vmem>> -> memref<16x512xf32, #tpu.memory_space<vmem>>
    %dma_wait3A_129 = arith.constant 0 : i32
    %dma_wait3A_130 = tpu.memref_slice %arg4[%add3A_122, %dma_wait3A_129] : memref<65536x512xf32, #tpu.memory_space<hbm>> -> memref<16x512xf32, #tpu.memory_space<hbm>>
    %dma_wait3A_131 = tpu.memref_slice %arg8[%dma_wait3A_124] : memref<8x!tpu.dma_semaphore, #tpu.memory_space<semaphore_mem>> -> memref<1x!tpu.dma_semaphore, #tpu.memory_space<semaphore_mem>>
    %dma_wait3A_132 = tpu.memref_squeeze %dma_wait3A_131 : memref<1x!tpu.dma_semaphore, #tpu.memory_space<semaphore_mem>> -> memref<!tpu.dma_semaphore, #tpu.memory_space<semaphore_mem>>
    %dma_wait3A_133 = arith.constant 0 : i32
    %dma_wait3A_134 = tpu.memref_slice %arg4[%add3A_122, %dma_wait3A_133] : memref<65536x512xf32, #tpu.memory_space<hbm>> -> memref<16x512xf32, #tpu.memory_space<hbm>>
    %dma_wait3A_135 = arith.constant 0 : i32
    %dma_wait3A_136 = arith.constant 0 : i32
    %dma_wait3A_137 = tpu.memref_slice %arg6[%dma_wait3A_123, %dma_wait3A_135, %dma_wait3A_136] : memref<8x16x512xf32, #tpu.memory_space<vmem>> -> memref<1x16x512xf32, #tpu.memory_space<vmem>>
    %dma_wait3A_138 = tpu.memref_squeeze %dma_wait3A_137 : memref<1x16x512xf32, #tpu.memory_space<vmem>> -> memref<16x512xf32, #tpu.memory_space<vmem>>
    tpu.wait_dma2 semaphore(%dma_wait3A_132 : memref<!tpu.dma_semaphore, #tpu.memory_space<semaphore_mem>>) src(%dma_wait3A_138 : memref<16x512xf32, #tpu.memory_space<vmem>>) dst(%dma_wait3A_134 : memref<16x512xf32, #tpu.memory_space<hbm>>)
    %multiple_of3A_139 = arith.constant 2032 : i32
    %multiple_of3A_140 = tpu.assume_multiple %multiple_of3A_139, 16 : i32
    %add3A_141 = arith.addi %mul3A_2, %multiple_of3A_140 : i32
    %dma_wait3A_142 = arith.constant 7 : i32
    %dma_wait3A_143 = arith.constant 7 : i32
    %dma_wait3A_144 = arith.constant 0 : i32
    %dma_wait3A_145 = arith.constant 0 : i32
    %dma_wait3A_146 = tpu.memref_slice %arg6[%dma_wait3A_142, %dma_wait3A_144, %dma_wait3A_145] : memref<8x16x512xf32, #tpu.memory_space<vmem>> -> memref<1x16x512xf32, #tpu.memory_space<vmem>>
    %dma_wait3A_147 = tpu.memref_squeeze %dma_wait3A_146 : memref<1x16x512xf32, #tpu.memory_space<vmem>> -> memref<16x512xf32, #tpu.memory_space<vmem>>
    %dma_wait3A_148 = arith.constant 0 : i32
    %dma_wait3A_149 = tpu.memref_slice %arg4[%add3A_141, %dma_wait3A_148] : memref<65536x512xf32, #tpu.memory_space<hbm>> -> memref<16x512xf32, #tpu.memory_space<hbm>>
    %dma_wait3A_150 = tpu.memref_slice %arg8[%dma_wait3A_143] : memref<8x!tpu.dma_semaphore, #tpu.memory_space<semaphore_mem>> -> memref<1x!tpu.dma_semaphore, #tpu.memory_space<semaphore_mem>>
    %dma_wait3A_151 = tpu.memref_squeeze %dma_wait3A_150 : memref<1x!tpu.dma_semaphore, #tpu.memory_space<semaphore_mem>> -> memref<!tpu.dma_semaphore, #tpu.memory_space<semaphore_mem>>
    %dma_wait3A_152 = arith.constant 0 : i32
    %dma_wait3A_153 = tpu.memref_slice %arg4[%add3A_141, %dma_wait3A_152] : memref<65536x512xf32, #tpu.memory_space<hbm>> -> memref<16x512xf32, #tpu.memory_space<hbm>>
    %dma_wait3A_154 = arith.constant 0 : i32
    %dma_wait3A_155 = arith.constant 0 : i32
    %dma_wait3A_156 = tpu.memref_slice %arg6[%dma_wait3A_142, %dma_wait3A_154, %dma_wait3A_155] : memref<8x16x512xf32, #tpu.memory_space<vmem>> -> memref<1x16x512xf32, #tpu.memory_space<vmem>>
    %dma_wait3A_157 = tpu.memref_squeeze %dma_wait3A_156 : memref<1x16x512xf32, #tpu.memory_space<vmem>> -> memref<16x512xf32, #tpu.memory_space<vmem>>
    tpu.wait_dma2 semaphore(%dma_wait3A_151 : memref<!tpu.dma_semaphore, #tpu.memory_space<semaphore_mem>>) src(%dma_wait3A_157 : memref<16x512xf32, #tpu.memory_space<vmem>>) dst(%dma_wait3A_153 : memref<16x512xf32, #tpu.memory_space<hbm>>)
    return
  }
}

</mosaic_0001>

<sc_bundles>
// kernel: kernel.3.cloned.1.call-start
scs
__scs_entry_jumppad:
0x0: {  	(pc) =	sbr.rel $0x88, $3  }
0x1: {  	(tag) =	ssettag $0x0;
	lr =	simm.s32 $0x1  }
0x2: {  	[smem:$0x3F9E] =	sst lr;
	_ =	strace $0xD0000000  }
0x3: {  	_ = 	snop  }
0x4: {  	_ = 	snop  }
0x5: {  	_ = 	snop  }
0x6: {  	_ = 	snop  }
0x7: {  	_ = 	snop  }
__scs_overlays_trampoline_lowered:
0x8: {  	[smem:$0x3FAD] =	sst s0  }
0x9: {  	[smem:$0x3FAE] =	sst s1  }
0xa: {  	[smem:$0x3FAF] =	sst s2  }
0xb: {  	[smem:$0x3FB0] =	sst s3  }
0xc: {  	[smem:$0x3FB1] =	sst s4  }
0xd: {  	[smem:$0x3FB2] =	sst s5  }
0xe: {  	[smem:$0x3FB3] =	sst s6  }
0xf: {  	[smem:$0x3FB4] =	sst s7  }
0x10: {  	[smem:$0x3FB5] =	sst s8  }
0x11: {  	[smem:$0x3FB6] =	sst s9;
	s0 =	simm.s32 @!p0 $0x0  }
0x12: {  	s1 =	sld [smem:$0x3F9C];
	s0 =	simm.s32 @p0 $0x1  }
0x13: {  	[smem:$0x3FB7] =	sst s0;
	s0 =	simm.s32 @!p1 $0x0  }
0x14: {  	s2 =	sld [smem:$0x3F9B];
	s0 =	simm.s32 @p1 $0x1  }
0x15: {  	[smem:$0x3FB8] =	sst s0;
	s0 =	simm.s32 @!p2 $0x0  }
0x16: {  	s3 =	sld [smem:$0x3FDB];
	s0 =	simm.s32 @p2 $0x1  }
0x17: {  	s4 =	simm.s32 $0x1BF5;
	[smem:$0x3FBA] =	sst s0  }
0x18: {  	s0 =	sld [smem:$0x3F9D];
	_ =	swait.ge [sflag:s4], $0x0  }
0x19: {  	s7 =	sld [smem:$0x3F9E]  }
0x1a: {  	s8 =	sadd.s32 $0xFFFFE003, lr  }
0x1b: {  	s9 =	sadd.s32 $0xFFFFFEF7, lr;
	s5 =	simm.s32 $0xFFFFFFFF;
	p2 =	slt.u32 s8, $0xFFFFF086  }
0x1c: {  	p1 =	slt.u32 s9, $0xF7A;
	s5 =	simm.s32 @!p2 $0x0  }
0x1d: {  	s5 =	simm.s32 @p1 $0x1;
	p0 =	seq.s32 s7, s2  }
0x1e: {  	s7 =	smul.u32 @!p0 $0xF7A, s2;
	p2 =	seq.s32 @!p0 s5, $0x0  }
0x1f: {  	s9 =	smul.u32 $0xF7A, s1;
	s8 =	simm.s32 @!p0 $0x1BF5;
	p2 =	por !p2, p0  }
0x20: {  	[sflag:s8] =	ssyncset.s32 @!p0 $0xFFFFF086;
	s6 =	sadd.s32 @!p0 s3, s7;
	s7 =	simm.s32 @!p0 $0x108  }
0x21: {  	s3 =	sadd.s32 s3, s9;
	s6 =	sadd.s32 @!p0 $0x88, s6;
	s7 =	simm.s32 @p2 $0x1082  }
0x22: {  	[simem:s7], [sflag:s8] =	dma.local @!p0 [hbm:s6], $0xF7A  }
0x23: {  	s9 =	sor.u32 $0xD0000000, s2;
	s6 =	simm.s32 $0x108;
	_ =	swait.ge @!p0 [sflag:s8], $0x0  }
0x24: {  	s3 =	sadd.s32 $0x88, s3;
	s6 =	simm.s32 @!p1 $0x1082;
	[sflag:s4] =	ssyncset.s32 $0xFFFFF086  }
0x25: {  	[simem:s6], [sflag:s4] =	dma.local [hbm:s3], $0xF7A  }
0x26: {  	[smem:$0x3F9E] =	sst s1;
	(tag) =	ssettag s2;
	_ =	strace s9  }
0x27: {  	s1 =	sld [smem:$0x3FAE]  }
0x28: {  	s2 =	sld [smem:$0x3FAF]  }
0x29: {  	s4 =	sld [smem:$0x3FB1]  }
0x2a: {  	p0 =	seq.s32 s5, $0x0;
	s5 =	sld [smem:$0x3FB2]  }
0x2b: {  	s6 =	sld [smem:$0x3FB3]  }
0x2c: {  	s7 =	sld [smem:$0x3FB4]  }
0x2d: {  	s3 =	simm.s32 $0x108;
	s8 =	sld [smem:$0x3FB5]  }
0x2e: {  	s3 =	simm.s32 @!p0 $0x1082;
	s9 =	sld [smem:$0x3FB6]  }
0x2f: {  	lr =	sadd.s32 s0, s3;
	s0 =	sld [smem:$0x3FAD]  }
0x30: {  	s3 =	sld [smem:$0x3FB0]  }
0x31: {  	[smem:$0x3FB9] =	sst s10  }
0x32: {  	s10 =	sld [smem:$0x3FB7];
	_ =	sdelay $0x3  }
0x33: {  	p0 =	seq.s32 s10, $0x1;
	s10 =	sld [smem:$0x3FB9];
	_ =	sdelay $0x3  }
0x34: {  	[smem:$0x3FB9] =	sst s10  }
0x35: {  	s10 =	sld [smem:$0x3FB8];
	_ =	sdelay $0x3  }
0x36: {  	p1 =	seq.s32 s10, $0x1;
	s10 =	sld [smem:$0x3FB9];
	_ =	sdelay $0x3  }
0x37: {  	[smem:$0x3FB9] =	sst s10  }
0x38: {  	s10 =	sld [smem:$0x3FBA]  }
0x39: {  	_ = 	snop;
	(pc) =	sbr.ind lr, $3  }
0x3a: {  	_ = 	snop  }
0x3b: {  	_ = 	snop  }
0x3c: {  	p2 =	seq.s32 s10, $0x1;
	s10 =	sld [smem:$0x3FB9]  }
0x3d: {  	_ =	shalt  }
0x3e: {  	_ =	shalt  }
0x3f: {  	_ =	shalt  }
0x40: {  	_ =	shalt  }
0x41: {  	_ =	shalt  }
0x42: {  	_ =	shalt  }
0x43: {  	_ =	shalt  }
0x44: {  	_ =	shalt  }
0x45: {  	_ =	shalt  }
0x46: {  	_ =	shalt  }
0x47: {  	_ =	shalt  }
0x48: {  	_ =	shalt  }
0x49: {  	_ =	shalt  }
0x4a: {  	_ =	shalt  }
0x4b: {  	_ =	shalt  }
0x4c: {  	_ =	shalt  }
0x4d: {  	_ =	shalt  }
0x4e: {  	_ =	shalt  }
0x4f: {  	_ =	shalt  }
0x50: {  	_ =	shalt  }
0x51: {  	_ =	shalt  }
0x52: {  	_ =	shalt  }
0x53: {  	_ =	shalt  }
0x54: {  	_ =	shalt  }
0x55: {  	_ =	shalt  }
0x56: {  	_ =	shalt  }
0x57: {  	_ =	shalt  }
0x58: {  	_ =	shalt  }
0x59: {  	_ =	shalt  }
0x5a: {  	_ =	shalt  }
0x5b: {  	_ =	shalt  }
0x5c: {  	_ =	shalt  }
0x5d: {  	_ =	shalt  }
0x5e: {  	_ =	shalt  }
0x5f: {  	_ =	shalt  }
0x60: {  	_ =	shalt  }
0x61: {  	_ =	shalt  }
0x62: {  	_ =	shalt  }
0x63: {  	_ =	shalt  }
0x64: {  	_ =	shalt  }
0x65: {  	_ =	shalt  }
0x66: {  	_ =	shalt  }
0x67: {  	_ =	shalt  }
0x68: {  	_ =	shalt  }
0x69: {  	_ =	shalt  }
0x6a: {  	_ =	shalt  }
0x6b: {  	_ =	shalt  }
0x6c: {  	_ =	shalt  }
0x6d: {  	_ =	shalt  }
0x6e: {  	_ =	shalt  }
0x6f: {  	_ =	shalt  }
0x70: {  	_ =	shalt  }
0x71: {  	_ =	shalt  }
0x72: {  	_ =	shalt  }
0x73: {  	_ =	shalt  }
0x74: {  	_ =	shalt  }
0x75: {  	_ =	shalt  }
0x76: {  	_ =	shalt  }
0x77: {  	_ =	shalt  }
0x78: {  	_ =	shalt  }
0x79: {  	_ =	shalt  }
0x7a: {  	_ =	shalt  }
0x7b: {  	_ =	shalt  }
0x7c: {  	_ =	shalt  }
0x7d: {  	_ =	shalt  }
0x7e: {  	_ =	shalt  }
0x7f: {  	_ =	shalt  }
0x80: {  	_ =	shalt  }
0x81: {  	_ =	shalt  }
0x82: {  	_ =	shalt  }
0x83: {  	_ =	shalt  }
0x84: {  	_ =	shalt  }
0x85: {  	_ =	shalt  }
0x86: {  	_ =	shalt  }
0x87: {  	_ =	shalt  }
.Lfunc_end0:
.L_simem_size_0:
called_computation_lowered:
.L_overlay_start_0:
0x88: {  	s2 =	sld [smem:$0x3FD9]  }
0x89: {  	s3 =	sld [smem:$0x3FFE];
	_ =	sdelay $0x1  }
0x8a: {  	s1 =	srdreg.scid  }
0x8b: {  	s0 =	sand.u32 $0x1, s1  }
0x8c: {  	s14 =	sshll.u32 s0, $0xA;
	s2 =	sadd.s32 s3, s2  }
0x8d: {  	s2 =	sadd.s32 s2, s14  }
0x8e: {  	[smem:$0x3FC5] =	sst s2  }
0x8f: {  	_ = 	snop  }
0x90: {  	s2 =	sld [smem:$0x3FD0];
	_ =	sdelay $0x2  }
0x91: {  	s4 =	simm.s32 $0xA;
	s5 =	simm.s32 $0x10;
	s15 =	sld [smem:$0x3FC9]  }
0x92: {  	[smem:s5], [sflag:s4] =	dma.local [hbm:s2], $0x1  }
0x93: {  	_ =	swait.eq [sflag:s4], $0x1  }
0x94: {  	[sflag:s4] =	ssyncset.done $0x0  }
0x95: {  	[sflag:s4] =	ssyncadd.s32 $0xFFFFFFFF  }
0x96: {  	s16 =	sld [smem:$0x10];
	(tm) =	ssettm $0x1  }
0x97: {  	s17 =	sld [smem:$0x3FFB];
	_ =	sdelay $0x3  }
0x98: {  	_ =	strace s17  }
0x99: {  	s4 =	sld [smem:$0x3FFC];
	_ =	sdelay $0x3  }
0x9a: {  	_ =	strace s4  }
0x9b: {  	s4 =	sld [smem:$0x3FFD];
	_ =	sdelay $0x3  }
0x9c: {  	_ =	strace s4  }
0x9d: {  	_ =	strace $0x8FFFFFFF  }
0x9e: {  	s18 =	sld [smem:$0x3FDB];
	_ =	sdelay $0x1  }
0x9f: {  	s19 =	simm.s32 $_scs_section_size  }
0xa0: {  	s6 =	simm.s32 $_size__tile_overlayer_lowered;
	s7 =	simm.s32 $_tile_overlayer_lowered  }
0xa1: {  	s22 =	simm.s32 $0x1BFF;
	s21 =	sshll.u32 s7, $0x1;
	s4 =	sadd.s32 s19, s18  }
0xa2: {  	s8 =	simm.s32 $0x0;
	s20 =	sshll.u32 s6, $0x1;
	s6 =	sadd.s32 s21, s4  }
0xa3: {  	[timem:s8], [sflag:s22] =	dma.local [hbm:s6], s20  }
0xa4: {  	_ =	swait.ge [sflag:s22], s20  }
0xa5: {  	s5 =	ssub.s32 $0x0, s20;
	[sflag:s22] =	ssyncset.done $0x0  }
0xa6: {  	[sflag:s22] =	ssyncadd.s32 s5;
	_ =	sdelay $0x1  }
0xa7: {  	s23 =	simm.s32 $0x1B8B  }
0xa8: {  	_ =	swait.ge [sflag:s23], $0x1  }
0xa9: {  	[sflag:s23] =	ssyncset.done $0x0  }
0xaa: {  	s25 =	simm.s32 $0x1B8E;
	s24 =	sld [smem:$0x3FFE];
	[sflag:s23] =	ssyncadd.s32 $0xFFFFFFFF  }
0xab: {  	s26 =	simm.s32 $execute0_lowered;
	[smem:$0x3FD2] =	sst s25  }
0xac: {  	s6 =	sshll.u32 s26, $0x1;
	_ =	strace $0x80000046;
	[dreg:$0x1] =	wrdreg $0xFFFFFFFF  }
0xad: {  	s28 =	simm.s32 $_size_execute0_lowered;
	s4 =	sadd.s32 s4, s6;
	[dreg:$0x0] =	wrdreg $0x0  }
0xae: {  	s6 =	sshll.u32 s28, $0x1;
	[dreg:$0x2] =	wrdreg s4  }
0xaf: {  	[dreg:$0x3] =	wrdreg s6  }
0xb0: {  	[dreg:$0x4] =	wrdreg $0xC0  }
0xb1: {  	_ =	task [dreg:s8], $0x5FFFF  }
0xb2: {  	[dreg:$0x1] =	wrdreg $0xFFFFFFFF  }
0xb3: {  	[dreg:$0x0] =	wrdreg $0x60  }
0xb4: {  	[dreg:$0x2] =	wrdreg s15  }
0xb5: {  	[dreg:$0x3] =	wrdreg s24  }
0xb6: {  	[dreg:$0x4] =	wrdreg s16  }
0xb7: {  	[dreg:$0x5] =	wrdreg $0x9  }
0xb8: {  	_ =	task.clear_ibuf [dreg:s8], $0x6FFFF;
	_ =	strace $0x90000046  }
0xb9: {  	s29 =	simm.s32 $0x9;
	_ =	strace $0x80000048  }
0xba: {  	_ =	swait.ge [sflag:s29], $0x1  }
0xbb: {  	[sflag:s29] =	ssyncadd.s32 $0xFFFFFFFF  }
0xbc: {  	_ =	strace $0x90000048  }
0xbd: {  	_ =	sfence  }
0xbe: {  	s30 =	sld [smem:$0x0];
	_ =	sdelay $0x2  }
0xbf: {  	s31 =	sshll.u32 s1, $0xD;
	s1 =	sshrl.u32 s1, $0x2  }
0xc0: {  	s3 =	sand.u32 $0x4000, s31;
	s1 =	sadd.s32 s1, s30  }
0xc1: {  	s0 =	sor.u32 s3, s0;
	s1 =	sshll.u32 s1, $0x11  }
0xc2: {  	s0 =	sor.u32 s1, s0  }
0xc3: {  	s0 =	sadd.s32 $0x8F2B, s0  }
0xc4: {  	[sflag:s0] =	ssyncadd.remote.s32 $0x1  }
0xc5: {  	_ =	sfence.sel $0xFFFF  }
0xc6: {  	[dreg:$0x0] =	wrdreg $0xFFFFFFFF;
	(pc) =	sbr.abs _section_cstart, $3  }
0xc7: {  	[dreg:$0x1] =	wrdreg $0xFFFFFFFF  }
0xc8: {  	_ =	task.clear_ibuf [dreg:s8], $0x2FFFF;
	_ =	strace $0x9FFFFFFF  }
0xc9: {  	(tm) =	ssettm $0x7FFFFFFF  }
tec
execute0_lowered:
.L_overlay_start_1:
0x0: {  	(tag) =	ssettag $0x1  }
0x1: {  	s1 =	rddreg [dreg:$0x0]  }
0x2: {  	s0 =	rddreg [dreg:$0x1];
	s3 =	srdreg.scid  }
0x3: {  	s2 =	rddreg [dreg:$0x2];
	s4 =	sand.u32 $0x1, s3;
	s3 =	simm.s32 $0x0  }
0x4: {  	s20 =	simm.s32 $0x1000;
	[smem:$0x7FF] =	sst s3  }
0x5: {  	s21 =	simm.s32 $0x1800;
	_ =	strace $0x80000047;
	[dreg:$0x5] =	wrdreg s20  }
0x6: {  	s22 =	simm.s32 $0x2000;
	[dreg:$0x6] =	wrdreg s21  }
0x7: {  	s23 =	simm.s32 $0x3000;
	[dreg:$0x7] =	wrdreg s22  }
0x8: {  	s6 =	stileid.u32;
	s25 =	simm.s32 $0x3800;
	[dreg:$0x8] =	wrdreg s23  }
0x9: {  	s26 =	simm.s32 $0x4000;
	s7 =	simm.s32 $0x5000;
	[dreg:$0x9] =	wrdreg s25  }
0xa: {  	s8 =	simm.s32 $0x5800;
	s9 =	simm.s32 $0x6000;
	[dreg:$0xa] =	wrdreg s26  }
0xb: {  	s10 =	simm.s32 $0x7000;
	s12 =	simm.s32 $0x7800;
	[dreg:$0xb] =	wrdreg s7  }
0xc: {  	s13 =	simm.s32 $0x8000;
	s14 =	simm.s32 $0x9000;
	[dreg:$0xc] =	wrdreg s8  }
0xd: {  	s15 =	simm.s32 $0x9800;
	s17 =	simm.s32 $0xA000;
	[dreg:$0xd] =	wrdreg s9  }
0xe: {  	s18 =	simm.s32 $0xB000;
	s28 =	simm.s32 $0xC;
	[dreg:$0xe] =	wrdreg s10  }
0xf: {  	s29 =	simm.s32 $0xD;
	s30 =	simm.s32 $0xE;
	[dreg:$0xf] =	wrdreg s12  }
0x10: {  	s31 =	simm.s32 $0xF;
	s19 =	sshll.u32 s6, $0x11;
	[dreg:$0x10] =	wrdreg s13  }
0x11: {  	s6 =	sshll.u32 s6, $0xB;
	s5 =	sshll.u32 s4, $0x15;
	[dreg:$0x11] =	wrdreg s14  }
0x12: {  	s24 =	sshll.u32 s4, $0xF;
	s4 =	ssub.s32 $0x2, s4;
	[dreg:$0x12] =	wrdreg s15  }
0x13: {  	s2 =	sadd.s32 s5, s2;
	s5 =	sor.u32 s6, s24;
	[dreg:$0x13] =	wrdreg s17  }
0x14: {  	s11 =	sshrl.u32 s4, $0x1;
	s8 =	simm.s32 $0x800;
	[dreg:$0x14] =	wrdreg s18  }
0x15: {  	s9 =	simm.s32 $0x2800;
	s20 =	simm.s32 $0xC000;
	s10 =	simm.s32 $0x4800  }
0x16: {  	s21 =	simm.s32 $0xD000;
	s22 =	simm.s32 $0xD800;
	s12 =	simm.s32 $0x8800  }
0x17: {  	s23 =	simm.s32 $0xE000;
	s13 =	simm.s32 $0xA800;
	[dreg:$0x16] =	wrdreg s20  }
0x18: {  	s24 =	simm.s32 $0xF000;
	s14 =	simm.s32 $0xC800;
	[dreg:$0x17] =	wrdreg s21  }
0x19: {  	s25 =	simm.s32 $0xF800;
	s15 =	simm.s32 $0xE800;
	[dreg:$0x18] =	wrdreg s22  }
0x1a: {  	s26 =	simm.s32 $0x10000;
	s17 =	simm.s32 $0x2;
	[dreg:$0x19] =	wrdreg s23  }
0x1b: {  	s18 =	simm.s32 $0x3;
	s2 =	sadd.s32 s19, s2;
	[dreg:$0x1a] =	wrdreg s24  }
0x1c: {  	s5 =	sshrl.u32 s5, $0x3;
	s4 =	ssub.s32 s4, s11;
	[dreg:$0x1b] =	wrdreg s25  }
0x1d: {  	s19 =	simm.s32 $0xB800;
	s11 =	simm.s32 $0x6800;
	[dreg:$0x1c] =	wrdreg s26  }
0x1e: {  	s20 =	simm.s32 $0x5;
	s21 =	simm.s32 $0x6;
	s22 =	simm.s32 $0x7  }
0x1f: {  	s23 =	simm.s32 $0x8;
	s25 =	simm.s32 $0xA;
	s26 =	simm.s32 $0xB  }
0x20: {  	[dreg:$0x4] =	wrdreg s2;
	s0 =	sadd.s32 s5, s0;
	s5 =	sadd.s32 $0x100, s1  }
0x21: {  	v3 =	vlaneseq.u32;
	s16 =	smax.u32 s4, $0x1;
	[dreg:$0x15] =	wrdreg s19;
	s19 =	simm.s32 $0x4  }
0x22: {  	vm0 =	vmmov $0xffff;
	v0 =	vor.u32 $0xFFFFFFF0, v3;
	v2 =	vshrl.u32 v3, $0x3;
	s2 =	simm.s32 $0x0;
	s0 =	sadd.s32 $0x600, s0;
	[dreg:$0x1e] =	wrdreg s16  }
0x23: {  	v1 =	vand.u32 $0x7, v3;
	v3 =	vor.u32 $0x8, v3;
	v2 =	vmul.u32 $0x8, v2;
	s16 =	simm.s32 $0x1;
	[dreg:$0x1d] =	wrdreg s0;
	s0 =	simm.s32 $0x10  }
.LBB2_1:
0x24: {  	s4 =	rddreg [dreg:$0x1d];
	s24 =	simm.s32 $0x11  }
0x25: {  	[tilespmem:s3], [sflag:$0x11] =	stream.linear.gather [hbm4b:s4+s3], $0x800, $0x38;
	[tilespmem:$0x10800] =	vst v63  }
0x26: {  	_ =	swait.ge [sflag:s24], $0x800  }
0x27: {  	[sflag:s24] =	ssyncset.done $0x0  }
0x28: {  	s6 =	simm.s32 $0x0;
	s4 =	simm.s32 $0x40;
	[sflag:s24] =	ssyncadd.s32 $0xFFFFF800  }
.LBB2_2:
0x29: {  	p0 =	seq.s32 s6, $0x0  }
0x2a: {  	s7 =	simm.s32 @!p0 $0x9  }
0x2b: {  	_ =	swait.ge @!p0 [sflag:s7], $0x2000  }
0x2c: {  	[sflag:s7] =	ssyncset.done @!p0 $0x0  }
0x2d: {  	[sflag:s7] =	ssyncadd.s32 @!p0 $0xFFFFE000  }
0x2e: {  	v4 =	vld [tilespmem:s4+$0xFFFFFFC0];
	_ =	sdelay $0x4  }
0x2f: {  	v4 =	vshll.u32 v4, $0x4  }
0x30: {  	v4 =	vadd.s32 v0, v4  }
0x31: {  	v5 =	vshll.u32 v4, $0x2  }
0x32: {  	v5 =	vand.u32 $0xFFFFFFE0, v5  }
0x33: {  	v5 =	vor.u32 v1, v5  }
0x34: {  	v6 =	vperm.xlane v5, v1;
	_ =	sdelay $0x1  }
0x35: {  	v6 =	vadd.s32 v2, v6;
	_ =	sdelay $0x1  }
0x36: {  	v5 =	vperm.xlane v5, v3;
	_ =	sdelay $0x1  }
0x37: {  	[tilespmem:s4+$0xFFFFFFC0] =	vst v4;
	v4 =	vadd.s32 v2, v5  }
0x38: {  	[tilespmem:s8], [sflag:$0x1] =	stream.indirect_vreg.gather [hbm4b:s1+s3], $0x80, v6, vm0, $0xb8;
	[tilespmem:$0x10800] =	vst v63  }
0x39: {  	s7 =	rddreg [dreg:$0x5]  }
0x3a: {  	[tilespmem:s7], [sflag:$0x1] =	stream.indirect_vreg.gather [hbm4b:s5+s3], $0x80, v6, vm0, $0xb8;
	[tilespmem:$0x10800] =	vst v63  }
0x3b: {  	s24 =	rddreg [dreg:$0x6]  }
0x3c: {  	[tilespmem:s24], [sflag:$0x1] =	stream.indirect_vreg.gather [hbm4b:s1+s3], $0x80, v4, vm0, $0xb8;
	[tilespmem:$0x10800] =	vst v63  }
0x3d: {  	s7 =	rddreg [dreg:$0x7]  }
0x3e: {  	[tilespmem:s7], [sflag:$0x1] =	stream.indirect_vreg.gather [hbm4b:s5+s3], $0x80, v4, vm0, $0xb8;
	[tilespmem:$0x10800] =	vst v63  }
0x3f: {  	s7 =	simm.s32 @!p0 $0xA  }
0x40: {  	_ =	swait.ge @!p0 [sflag:s7], $0x2000  }
0x41: {  	[sflag:s7] =	ssyncset.done @!p0 $0x0  }
0x42: {  	[sflag:s7] =	ssyncadd.s32 @!p0 $0xFFFFE000  }
0x43: {  	v4 =	vld [tilespmem:s4+$0xFFFFFFD0];
	_ =	sdelay $0x4  }
0x44: {  	v4 =	vshll.u32 v4, $0x4  }
0x45: {  	v4 =	vadd.s32 v0, v4  }
0x46: {  	v5 =	vshll.u32 v4, $0x2  }
0x47: {  	v5 =	vand.u32 $0xFFFFFFE0, v5  }
0x48: {  	v5 =	vor.u32 v1, v5  }
0x49: {  	v57 =	vperm.xlane v5, v1;
	_ =	sdelay $0x1  }
0x4a: {  	v6 =	vadd.s32 v2, v57;
	_ =	sdelay $0x1  }
0x4b: {  	v5 =	vperm.xlane v5, v3;
	_ =	sdelay $0x1  }
0x4c: {  	[tilespmem:s4+$0xFFFFFFD0] =	vst v4;
	v4 =	vadd.s32 v2, v5  }
0x4d: {  	[tilespmem:s9], [sflag:$0x2] =	stream.indirect_vreg.gather [hbm4b:s1+s3], $0x80, v6, vm0, $0xb8;
	[tilespmem:$0x10800] =	vst v63  }
0x4e: {  	s7 =	rddreg [dreg:$0x8]  }
0x4f: {  	[tilespmem:s7], [sflag:$0x2] =	stream.indirect_vreg.gather [hbm4b:s5+s3], $0x80, v6, vm0, $0xb8;
	[tilespmem:$0x10800] =	vst v63  }
0x50: {  	s24 =	rddreg [dreg:$0x9]  }
0x51: {  	[tilespmem:s24], [sflag:$0x2] =	stream.indirect_vreg.gather [hbm4b:s1+s3], $0x80, v4, vm0, $0xb8;
	[tilespmem:$0x10800] =	vst v63  }
0x52: {  	s7 =	rddreg [dreg:$0xa]  }
0x53: {  	[tilespmem:s7], [sflag:$0x2] =	stream.indirect_vreg.gather [hbm4b:s5+s3], $0x80, v4, vm0, $0xb8;
	[tilespmem:$0x10800] =	vst v63  }
0x54: {  	s7 =	simm.s32 @!p0 $0xB  }
0x55: {  	_ =	swait.ge @!p0 [sflag:s7], $0x2000  }
0x56: {  	[sflag:s7] =	ssyncset.done @!p0 $0x0  }
0x57: {  	[sflag:s7] =	ssyncadd.s32 @!p0 $0xFFFFE000  }
0x58: {  	v4 =	vld [tilespmem:s4+$0xFFFFFFE0];
	_ =	sdelay $0x4  }
0x59: {  	v4 =	vshll.u32 v4, $0x4  }
0x5a: {  	v4 =	vadd.s32 v0, v4  }
0x5b: {  	v5 =	vshll.u32 v4, $0x2  }
0x5c: {  	v5 =	vand.u32 $0xFFFFFFE0, v5  }
0x5d: {  	v5 =	vor.u32 v1, v5  }
0x5e: {  	v58 =	vperm.xlane v5, v1;
	_ =	sdelay $0x1  }
0x5f: {  	v6 =	vadd.s32 v2, v58;
	_ =	sdelay $0x1  }
0x60: {  	v5 =	vperm.xlane v5, v3;
	_ =	sdelay $0x1  }
0x61: {  	[tilespmem:s4+$0xFFFFFFE0] =	vst v4;
	v4 =	vadd.s32 v2, v5  }
0x62: {  	[tilespmem:s10], [sflag:$0x3] =	stream.indirect_vreg.gather [hbm4b:s1+s3], $0x80, v6, vm0, $0xb8;
	[tilespmem:$0x10800] =	vst v63  }
0x63: {  	s7 =	rddreg [dreg:$0xb]  }
0x64: {  	[tilespmem:s7], [sflag:$0x3] =	stream.indirect_vreg.gather [hbm4b:s5+s3], $0x80, v6, vm0, $0xb8;
	[tilespmem:$0x10800] =	vst v63  }
0x65: {  	s24 =	rddreg [dreg:$0xc]  }
0x66: {  	[tilespmem:s24], [sflag:$0x3] =	stream.indirect_vreg.gather [hbm4b:s1+s3], $0x80, v4, vm0, $0xb8;
	[tilespmem:$0x10800] =	vst v63  }
0x67: {  	s7 =	rddreg [dreg:$0xd]  }
0x68: {  	[tilespmem:s7], [sflag:$0x3] =	stream.indirect_vreg.gather [hbm4b:s5+s3], $0x80, v4, vm0, $0xb8;
	[tilespmem:$0x10800] =	vst v63  }
0x69: {  	s7 =	simm.s32 @!p0 $0xC  }
0x6a: {  	_ =	swait.ge @!p0 [sflag:s7], $0x2000  }
0x6b: {  	[sflag:s7] =	ssyncset.done @!p0 $0x0  }
0x6c: {  	[sflag:s7] =	ssyncadd.s32 @!p0 $0xFFFFE000  }
0x6d: {  	v4 =	vld [tilespmem:s4+$0xFFFFFFF0];
	_ =	sdelay $0x4  }
0x6e: {  	v4 =	vshll.u32 v4, $0x4  }
0x6f: {  	v4 =	vadd.s32 v0, v4  }
0x70: {  	v5 =	vshll.u32 v4, $0x2  }
0x71: {  	v5 =	vand.u32 $0xFFFFFFE0, v5  }
0x72: {  	v5 =	vor.u32 v1, v5  }
0x73: {  	v59 =	vperm.xlane v5, v1;
	_ =	sdelay $0x1  }
0x74: {  	v6 =	vadd.s32 v2, v59;
	_ =	sdelay $0x1  }
0x75: {  	v5 =	vperm.xlane v5, v3;
	_ =	sdelay $0x1  }
0x76: {  	[tilespmem:s4+$0xFFFFFFF0] =	vst v4;
	v4 =	vadd.s32 v2, v5  }
0x77: {  	[tilespmem:s11], [sflag:$0x4] =	stream.indirect_vreg.gather [hbm4b:s1+s3], $0x80, v6, vm0, $0xb8;
	[tilespmem:$0x10800] =	vst v63  }
0x78: {  	s7 =	rddreg [dreg:$0xe]  }
0x79: {  	[tilespmem:s7], [sflag:$0x4] =	stream.indirect_vreg.gather [hbm4b:s5+s3], $0x80, v6, vm0, $0xb8;
	[tilespmem:$0x10800] =	vst v63  }
0x7a: {  	s24 =	rddreg [dreg:$0xf]  }
0x7b: {  	[tilespmem:s24], [sflag:$0x4] =	stream.indirect_vreg.gather [hbm4b:s1+s3], $0x80, v4, vm0, $0xb8;
	[tilespmem:$0x10800] =	vst v63  }
0x7c: {  	s7 =	rddreg [dreg:$0x10]  }
0x7d: {  	[tilespmem:s7], [sflag:$0x4] =	stream.indirect_vreg.gather [hbm4b:s5+s3], $0x80, v4, vm0, $0xb8;
	[tilespmem:$0x10800] =	vst v63  }
0x7e: {  	s7 =	simm.s32 @!p0 $0xD  }
0x7f: {  	_ =	swait.ge @!p0 [sflag:s7], $0x2000  }
0x80: {  	[sflag:s7] =	ssyncset.done @!p0 $0x0  }
0x81: {  	[sflag:s7] =	ssyncadd.s32 @!p0 $0xFFFFE000  }
0x82: {  	v4 =	vld [tilespmem:s4+$0x0];
	_ =	sdelay $0x4  }
0x83: {  	v4 =	vshll.u32 v4, $0x4  }
0x84: {  	v4 =	vadd.s32 v0, v4  }
0x85: {  	v5 =	vshll.u32 v4, $0x2  }
0x86: {  	v5 =	vand.u32 $0xFFFFFFE0, v5  }
0x87: {  	v5 =	vor.u32 v1, v5  }
0x88: {  	v60 =	vperm.xlane v5, v1;
	_ =	sdelay $0x1  }
0x89: {  	v6 =	vadd.s32 v2, v60;
	_ =	sdelay $0x1  }
0x8a: {  	v5 =	vperm.xlane v5, v3;
	_ =	sdelay $0x1  }
0x8b: {  	[tilespmem:s4+$0x0] =	vst v4;
	v4 =	vadd.s32 v2, v5  }
0x8c: {  	[tilespmem:s12], [sflag:$0x5] =	stream.indirect_vreg.gather [hbm4b:s1+s3], $0x80, v6, vm0, $0xb8;
	[tilespmem:$0x10800] =	vst v63  }
0x8d: {  	s7 =	rddreg [dreg:$0x11]  }
0x8e: {  	[tilespmem:s7], [sflag:$0x5] =	stream.indirect_vreg.gather [hbm4b:s5+s3], $0x80, v6, vm0, $0xb8;
	[tilespmem:$0x10800] =	vst v63  }
0x8f: {  	s24 =	rddreg [dreg:$0x12]  }
0x90: {  	[tilespmem:s24], [sflag:$0x5] =	stream.indirect_vreg.gather [hbm4b:s1+s3], $0x80, v4, vm0, $0xb8;
	[tilespmem:$0x10800] =	vst v63  }
0x91: {  	s7 =	rddreg [dreg:$0x13]  }
0x92: {  	[tilespmem:s7], [sflag:$0x5] =	stream.indirect_vreg.gather [hbm4b:s5+s3], $0x80, v4, vm0, $0xb8;
	[tilespmem:$0x10800] =	vst v63  }
0x93: {  	s7 =	simm.s32 @!p0 $0xE  }
0x94: {  	_ =	swait.ge @!p0 [sflag:s7], $0x2000  }
0x95: {  	[sflag:s7] =	ssyncset.done @!p0 $0x0  }
0x96: {  	[sflag:s7] =	ssyncadd.s32 @!p0 $0xFFFFE000  }
0x97: {  	v4 =	vld [tilespmem:s4+$0x10];
	_ =	sdelay $0x4  }
0x98: {  	v4 =	vshll.u32 v4, $0x4  }
0x99: {  	v4 =	vadd.s32 v0, v4  }
0x9a: {  	v5 =	vshll.u32 v4, $0x2  }
0x9b: {  	v5 =	vand.u32 $0xFFFFFFE0, v5  }
0x9c: {  	v5 =	vor.u32 v1, v5  }
0x9d: {  	v61 =	vperm.xlane v5, v1;
	_ =	sdelay $0x1  }
0x9e: {  	v6 =	vadd.s32 v2, v61;
	_ =	sdelay $0x1  }
0x9f: {  	v5 =	vperm.xlane v5, v3;
	_ =	sdelay $0x1  }
0xa0: {  	[tilespmem:s4+$0x10] =	vst v4;
	v4 =	vadd.s32 v2, v5  }
0xa1: {  	[tilespmem:s13], [sflag:$0x6] =	stream.indirect_vreg.gather [hbm4b:s1+s3], $0x80, v6, vm0, $0xb8;
	[tilespmem:$0x10800] =	vst v63  }
0xa2: {  	s7 =	rddreg [dreg:$0x14]  }
0xa3: {  	[tilespmem:s7], [sflag:$0x6] =	stream.indirect_vreg.gather [hbm4b:s5+s3], $0x80, v6, vm0, $0xb8;
	[tilespmem:$0x10800] =	vst v63  }
0xa4: {  	s24 =	rddreg [dreg:$0x15]  }
0xa5: {  	[tilespmem:s24], [sflag:$0x6] =	stream.indirect_vreg.gather [hbm4b:s1+s3], $0x80, v4, vm0, $0xb8;
	[tilespmem:$0x10800] =	vst v63  }
0xa6: {  	s7 =	rddreg [dreg:$0x16]  }
0xa7: {  	[tilespmem:s7], [sflag:$0x6] =	stream.indirect_vreg.gather [hbm4b:s5+s3], $0x80, v4, vm0, $0xb8;
	[tilespmem:$0x10800] =	vst v63  }
0xa8: {  	s7 =	simm.s32 @!p0 $0xF  }
0xa9: {  	_ =	swait.ge @!p0 [sflag:s7], $0x2000  }
0xaa: {  	[sflag:s7] =	ssyncset.done @!p0 $0x0  }
0xab: {  	[sflag:s7] =	ssyncadd.s32 @!p0 $0xFFFFE000  }
0xac: {  	v4 =	vld [tilespmem:s4+$0x20];
	_ =	sdelay $0x4  }
0xad: {  	v4 =	vshll.u32 v4, $0x4  }
0xae: {  	v4 =	vadd.s32 v0, v4  }
0xaf: {  	v5 =	vshll.u32 v4, $0x2  }
0xb0: {  	v5 =	vand.u32 $0xFFFFFFE0, v5  }
0xb1: {  	v5 =	vor.u32 v1, v5  }
0xb2: {  	v62 =	vperm.xlane v5, v1;
	_ =	sdelay $0x1  }
0xb3: {  	v6 =	vadd.s32 v2, v62;
	_ =	sdelay $0x1  }
0xb4: {  	v5 =	vperm.xlane v5, v3;
	_ =	sdelay $0x1  }
0xb5: {  	[tilespmem:s4+$0x20] =	vst v4;
	v4 =	vadd.s32 v2, v5  }
0xb6: {  	[tilespmem:s14], [sflag:$0x7] =	stream.indirect_vreg.gather [hbm4b:s1+s3], $0x80, v6, vm0, $0xb8;
	[tilespmem:$0x10800] =	vst v63  }
0xb7: {  	s7 =	rddreg [dreg:$0x17]  }
0xb8: {  	[tilespmem:s7], [sflag:$0x7] =	stream.indirect_vreg.gather [hbm4b:s5+s3], $0x80, v6, vm0, $0xb8;
	[tilespmem:$0x10800] =	vst v63  }
0xb9: {  	s24 =	rddreg [dreg:$0x18]  }
0xba: {  	[tilespmem:s24], [sflag:$0x7] =	stream.indirect_vreg.gather [hbm4b:s1+s3], $0x80, v4, vm0, $0xb8;
	[tilespmem:$0x10800] =	vst v63  }
0xbb: {  	s7 =	rddreg [dreg:$0x19]  }
0xbc: {  	[tilespmem:s7], [sflag:$0x7] =	stream.indirect_vreg.gather [hbm4b:s5+s3], $0x80, v4, vm0, $0xb8;
	[tilespmem:$0x10800] =	vst v63  }
0xbd: {  	s7 =	simm.s32 @!p0 $0x10  }
0xbe: {  	_ =	swait.ge @!p0 [sflag:s7], $0x2000  }
0xbf: {  	[sflag:s7] =	ssyncset.done @!p0 $0x0  }
0xc0: {  	[sflag:s7] =	ssyncadd.s32 @!p0 $0xFFFFE000  }
0xc1: {  	v4 =	vld [tilespmem:s4+$0x30];
	_ =	sdelay $0x4  }
0xc2: {  	v4 =	vshll.u32 v4, $0x4  }
0xc3: {  	v4 =	vadd.s32 v0, v4  }
0xc4: {  	v5 =	vshll.u32 v4, $0x2  }
0xc5: {  	v5 =	vand.u32 $0xFFFFFFE0, v5  }
0xc6: {  	v5 =	vor.u32 v1, v5  }
0xc7: {  	v63 =	vperm.xlane v5, v1;
	_ =	sdelay $0x1  }
0xc8: {  	v6 =	vadd.s32 v2, v63;
	_ =	sdelay $0x1  }
0xc9: {  	v5 =	vperm.xlane v5, v3;
	_ =	sdelay $0x1  }
0xca: {  	[tilespmem:s4+$0x30] =	vst v4;
	v4 =	vadd.s32 v2, v5  }
0xcb: {  	[tilespmem:s15], [sflag:$0x8] =	stream.indirect_vreg.gather [hbm4b:s1+s3], $0x80, v6, vm0, $0xb8;
	[tilespmem:$0x10800] =	vst v63  }
0xcc: {  	s7 =	rddreg [dreg:$0x1a]  }
0xcd: {  	[tilespmem:s7], [sflag:$0x8] =	stream.indirect_vreg.gather [hbm4b:s5+s3], $0x80, v6, vm0, $0xb8;
	[tilespmem:$0x10800] =	vst v63  }
0xce: {  	s24 =	rddreg [dreg:$0x1b]  }
0xcf: {  	[tilespmem:s24], [sflag:$0x8] =	stream.indirect_vreg.gather [hbm4b:s1+s3], $0x80, v4, vm0, $0xb8;
	[tilespmem:$0x10800] =	vst v63  }
0xd0: {  	s7 =	rddreg [dreg:$0x1c]  }
0xd1: {  	[tilespmem:s7], [sflag:$0x8] =	stream.indirect_vreg.gather [hbm4b:s5+s3], $0x80, v4, vm0, $0xb8;
	[tilespmem:$0x10800] =	vst v63  }
0xd2: {  	_ =	swait.ge [sflag:s16], $0x2000  }
0xd3: {  	s24 =	rddreg [dreg:$0x4];
	[sflag:s16] =	ssyncset.done $0x0  }
0xd4: {  	[sflag:s16] =	ssyncadd.s32 $0xFFFFE000;
	s7 =	sadd.s32 s6, s24  }
0xd5: {  	[hbm4b:s7+s3] =	stream.linear.scatter [tilespmem:s8], [sflag:$0x9], $0x2000, $0x38;
	[tilespmem:$0x10800] =	vst v63  }
0xd6: {  	_ =	swait.ge [sflag:s17], $0x2000  }
0xd7: {  	[sflag:s17] =	ssyncset.done $0x0  }
0xd8: {  	s24 =	sadd.s32 $0x400, s7;
	[sflag:s17] =	ssyncadd.s32 $0xFFFFE000  }
0xd9: {  	[hbm4b:s24+s3] =	stream.linear.scatter [tilespmem:s9], [sflag:$0xA], $0x2000, $0x38;
	[tilespmem:$0x10800] =	vst v63  }
0xda: {  	_ =	swait.ge [sflag:s18], $0x2000  }
0xdb: {  	[sflag:s18] =	ssyncset.done $0x0  }
0xdc: {  	s24 =	sadd.s32 $0x800, s7;
	[sflag:s18] =	ssyncadd.s32 $0xFFFFE000  }
0xdd: {  	[hbm4b:s24+s3] =	stream.linear.scatter [tilespmem:s10], [sflag:$0xB], $0x2000, $0x38;
	[tilespmem:$0x10800] =	vst v63  }
0xde: {  	_ =	swait.ge [sflag:s19], $0x2000  }
0xdf: {  	[sflag:s19] =	ssyncset.done $0x0  }
0xe0: {  	s24 =	sadd.s32 $0xC00, s7;
	[sflag:s19] =	ssyncadd.s32 $0xFFFFE000  }
0xe1: {  	[hbm4b:s24+s3] =	stream.linear.scatter [tilespmem:s11], [sflag:$0xC], $0x2000, $0x38;
	[tilespmem:$0x10800] =	vst v63  }
0xe2: {  	_ =	swait.ge [sflag:s20], $0x2000  }
0xe3: {  	[sflag:s20] =	ssyncset.done $0x0  }
0xe4: {  	s24 =	sadd.s32 $0x1000, s7;
	[sflag:s20] =	ssyncadd.s32 $0xFFFFE000  }
0xe5: {  	[hbm4b:s24+s3] =	stream.linear.scatter [tilespmem:s12], [sflag:$0xD], $0x2000, $0x38;
	[tilespmem:$0x10800] =	vst v63  }
0xe6: {  	_ =	swait.ge [sflag:s21], $0x2000  }
0xe7: {  	[sflag:s21] =	ssyncset.done $0x0  }
0xe8: {  	s24 =	sadd.s32 $0x1400, s7;
	[sflag:s21] =	ssyncadd.s32 $0xFFFFE000  }
0xe9: {  	[hbm4b:s24+s3] =	stream.linear.scatter [tilespmem:s13], [sflag:$0xE], $0x2000, $0x38;
	[tilespmem:$0x10800] =	vst v63  }
0xea: {  	_ =	swait.ge [sflag:s22], $0x2000  }
0xeb: {  	s6 =	sadd.s32 $0x2000, s6;
	[sflag:s22] =	ssyncset.done $0x0  }
0xec: {  	p0 =	sne.s32 s6, $0x20000;
	s24 =	sadd.s32 $0x1800, s7;
	[sflag:s22] =	ssyncadd.s32 $0xFFFFE000  }
0xed: {  	[hbm4b:s24+s3] =	stream.linear.scatter [tilespmem:s14], [sflag:$0xF], $0x2000, $0x38;
	[tilespmem:$0x10800] =	vst v63  }
.Ltmp0:
0xee: {  	_ = 	snop;
	(pc) =	sbr.rel @p0 .LBB2_2-.Ltmp0, $4  }
0xef: {  	_ =	swait.ge [sflag:s23], $0x2000  }
0xf0: {  	[sflag:s23] =	ssyncset.done $0x0  }
0xf1: {  	s4 =	sadd.s32 $0x80, s4;
	s7 =	sadd.s32 $0x1C00, s7;
	[sflag:s23] =	ssyncadd.s32 $0xFFFFE000  }
0xf2: {  	[hbm4b:s7+s3] =	stream.linear.scatter [tilespmem:s15], [sflag:$0x10], $0x2000, $0x38;
	[tilespmem:$0x10800] =	vst v63  }
0xf3: {  	s4 =	simm.s32 $0x9  }
0xf4: {  	_ =	swait.ge [sflag:s4], $0x2000  }
0xf5: {  	[sflag:s4] =	ssyncset.done $0x0  }
0xf6: {  	[sflag:s4] =	ssyncadd.s32 $0xFFFFE000  }
0xf7: {  	_ =	swait.ge [sflag:s25], $0x2000  }
0xf8: {  	[sflag:s25] =	ssyncset.done $0x0  }
0xf9: {  	[sflag:s25] =	ssyncadd.s32 $0xFFFFE000  }
0xfa: {  	_ =	swait.ge [sflag:s26], $0x2000  }
0xfb: {  	[sflag:s26] =	ssyncset.done $0x0  }
0xfc: {  	[sflag:s26] =	ssyncadd.s32 $0xFFFFE000  }
0xfd: {  	_ =	swait.ge [sflag:s28], $0x2000  }
0xfe: {  	[sflag:s28] =	ssyncset.done $0x0  }
0xff: {  	[sflag:s28] =	ssyncadd.s32 $0xFFFFE000  }
0x100: {  	_ =	swait.ge [sflag:s29], $0x2000  }
0x101: {  	[sflag:s29] =	ssyncset.done $0x0  }
0x102: {  	[sflag:s29] =	ssyncadd.s32 $0xFFFFE000  }
0x103: {  	_ =	swait.ge [sflag:s30], $0x2000  }
0x104: {  	[sflag:s30] =	ssyncset.done $0x0  }
0x105: {  	[sflag:s30] =	ssyncadd.s32 $0xFFFFE000  }
0x106: {  	_ =	swait.ge [sflag:s31], $0x2000  }
0x107: {  	[sflag:s31] =	ssyncset.done $0x0  }
0x108: {  	[sflag:s31] =	ssyncadd.s32 $0xFFFFE000  }
0x109: {  	_ =	swait.ge [sflag:s0], $0x2000  }
0x10a: {  	s2 =	sadd.s32 $0x1, s2;
	s24 =	rddreg [dreg:$0x1e]  }
0x10b: {  	p0 =	sne.s32 s2, s24  }
.Ltmp1:
0x10c: {  	_ = 	snop;
	(pc) =	sbr.rel @p0 .LBB2_1-.Ltmp1, $3  }
0x10d: {  	_ =	sdelay $0x1  }
0x10e: {  	[sflag:s0] =	ssyncset.done $0x0  }
0x10f: {  	[sflag:s0] =	ssyncadd.s32 $0xFFFFE000  }
0x110: {  	_ =	sfence.sel $0x180000  }
0x111: {  	[bflag:$0x0] =	sbarrier.arrive $0xFFFF  }
0x112: {  	_ =	strace $0x90000047  }
0x113: {  	s0 =	stileid.u32;
	[bflag:$0x2] =	sbarrier.arrive $0xFFFF  }
0x114: {  	p0 =	sne.s32 s0, $0x0;
	s0 =	rddreg [dreg:$0x3]  }
0x115: {  	s0 =	sadd.s32 @!p0 $0x100000, s0  }
0x116: {  	[sflag:s0] =	ssyncadd.tile.s32 @!p0 $0x1;
	_ =	shalt  }
.Lfunc_end2:
_tile_overlayer_lowered:
.L_overlay_start_2:
0x117: {  	(tag) =	ssettag $0x2  }
0x118: {  	s0 =	rddreg [dreg:$0x0];
	s2 =	stileid.u32  }
0x119: {  	s1 =	rddreg [dreg:$0x1];
	p0 =	sne.s32 s2, $0x0  }
0x11a: {  	s3 =	rddreg [dreg:$0x2];
	[bflag:$0x3] =	sbarrier.arrive $0xFFFF;
	s2 =	simm.s32 @!p0 $0x1C11  }
0x11b: {  	[timem:s3], [sflag:s2] =	dma.local @!p0 [hbm:s0], s1  }
0x11c: {  	s0 =	simm.s32 @!p0 $0x11  }
0x11d: {  	_ =	swait.ge @!p0 [sflag:s0], s1  }
0x11e: {  	s1 =	ssub.s32 @!p0 $0x0, s1;
	[sflag:s0] =	ssyncset.done @!p0 $0x0  }
0x11f: {  	[sflag:s0] =	ssyncadd.s32 @!p0 s1  }
0x120: {  	[bflag:$0x3] =	sbarrier.arrive $0xFFFF  }
0x121: {  	_ =	shalt  }

</sc_bundles>
